<compile_context>
chip_gen: v7x
topology: tpu7x:2x2x1
jax: 0.10.2.dev20260603
libtpu: 0.0.44.dev20260713+nightly
codegen_flags: <defaults>
</compile_context>

<pallas_src>
import functools

import jax
import jax.numpy as jnp
from jax import lax
from jax.experimental import pallas as pl
from jax.experimental.pallas import tpu as pltpu
from jax.experimental.pallas import tpu_sc as plsc

N = 10000
NP = 10240
E = 320000
D = 128
DH = D // 2
NC = 2
NS = 16
ROWS_PER_TILE = NP // NS
ACH = 128
AGG_EDGES_PER_TILE = E // NS
AGG_CHUNKS = 160
AGG_EDGES_PAD = AGG_CHUNKS * ACH
PAD_NODE = NP - 8
DEG_EDGES_PER_TILE = E // (NC * NS)
DEG_CHUNKS = 80
DEG_EDGES_PAD = DEG_CHUNKS * ACH
DEG_W = 16
BLK = 1024

_MESH = plsc.VectorSubcoreMesh(core_axis_name="c", subcore_axis_name="s")


@functools.partial(
    pl.kernel,
    out_type=jax.ShapeDtypeStruct((NC * NP, DEG_W), jnp.float32),
    mesh=_MESH,
    compiler_params=pltpu.CompilerParams(use_tc_tiling_on_sc=False),
    scratch_types=[
        pltpu.VMEM((DEG_CHUNKS, ACH), jnp.int32),
        pltpu.VMEM((ACH, DEG_W), jnp.float32),
        pltpu.VMEM((ROWS_PER_TILE, DEG_W), jnp.float32),
        pltpu.VMEM_SHARED((NP, DEG_W), jnp.float32),
        pltpu.SemaphoreType.DMA,
        pltpu.SemaphoreType.DMA,
        pltpu.SemaphoreType.DMA,
        pltpu.SemaphoreType.DMA,
    ],
)
def _deg_kernel(dst_hbm, out_hbm, idx_v, ones_v, zeros_v, acc_sh,
                semd0, semd1, semd2, semd3):
    c = lax.axis_index("c")
    s = lax.axis_index("s")
    wid = c * NS + s
    one_row = jnp.ones((16,), jnp.float32)
    zero_row = jnp.zeros((16,), jnp.float32)

    @pl.loop(0, ACH)
    def _(i):
        ones_v[i] = one_row

    @pl.loop(0, ROWS_PER_TILE)
    def _(i):
        zeros_v[i] = zero_row

    pltpu.sync_copy(zeros_v, acc_sh.at[pl.ds(s * ROWS_PER_TILE, ROWS_PER_TILE)])
    pltpu.sync_copy(dst_hbm.at[wid], idx_v)
    plsc.subcore_barrier()

    semd = (semd0, semd1, semd2, semd3)
    for b in range(4):
        pltpu.async_copy(ones_v, acc_sh.at[idx_v.at[b]], semd[b], add=True)

    @pl.loop(4, DEG_CHUNKS, step=4)
    def _(j):
        for b in range(4):
            pltpu.make_async_copy(
                ones_v, acc_sh.at[idx_v.at[j + b - 4]], semd[b]).wait()
            pltpu.async_copy(ones_v, acc_sh.at[idx_v.at[j + b]], semd[b],
                             add=True)

    for b in range(4):
        pltpu.make_async_copy(
            ones_v, acc_sh.at[idx_v.at[DEG_CHUNKS - 4 + b]], semd[b]).wait()

    plsc.subcore_barrier()
    pltpu.sync_copy(acc_sh.at[pl.ds(s * ROWS_PER_TILE, ROWS_PER_TILE)],
                    out_hbm.at[pl.ds(c * NP + s * ROWS_PER_TILE, ROWS_PER_TILE)])


@functools.partial(
    pl.kernel,
    out_type=jax.ShapeDtypeStruct((NC * NP, DH), jnp.float32),
    mesh=_MESH,
    compiler_params=pltpu.CompilerParams(use_tc_tiling_on_sc=False),
    scratch_types=[
        pltpu.VMEM((AGG_CHUNKS, ACH), jnp.int32),
        pltpu.VMEM((AGG_CHUNKS, ACH), jnp.int32),
        pltpu.VMEM((ACH, DH), jnp.float32),
        pltpu.VMEM((ACH, DH), jnp.float32),
        pltpu.VMEM((ACH, DH), jnp.float32),
        pltpu.VMEM((ACH, DH), jnp.float32),
        pltpu.VMEM_SHARED((NP, DH), jnp.float32),
        pltpu.SemaphoreType.DMA,
        pltpu.SemaphoreType.DMA,
        pltpu.SemaphoreType.DMA,
        pltpu.SemaphoreType.DMA,
    ],
)
def _agg_kernel(g_hbm, src2_hbm, dst_hbm, out_hbm,
                src_v, dst_v, rows0_v, rows1_v, rows2_v, rows3_v, acc_sh,
                sem0, sem1, sem2, sem3):
    c = lax.axis_index("c")
    s = lax.axis_index("s")
    base = c * NP + s * ROWS_PER_TILE
    pltpu.sync_copy(g_hbm.at[pl.ds(base, ROWS_PER_TILE)],
                    acc_sh.at[pl.ds(s * ROWS_PER_TILE, ROWS_PER_TILE)])
    pltpu.sync_copy(src2_hbm.at[c, s], src_v)
    pltpu.sync_copy(dst_hbm.at[s], dst_v)
    plsc.subcore_barrier()

    bufs = (rows0_v, rows1_v, rows2_v, rows3_v)
    sems = (sem0, sem1, sem2, sem3)
    for b in range(4):
        pltpu.async_copy(g_hbm.at[src_v.at[b]], bufs[b], sems[b])

    @pl.loop(0, AGG_CHUNKS, step=4)
    def _(j):
        for b in range(4):
            pltpu.make_async_copy(
                g_hbm.at[src_v.at[j + b]], bufs[b], sems[b]).wait()
            pltpu.sync_copy(bufs[b], acc_sh.at[dst_v.at[j + b]], add=True)

            @pl.when(j + b + 4 < AGG_CHUNKS)
            def _():
                pltpu.async_copy(g_hbm.at[src_v.at[j + b + 4]], bufs[b], sems[b])

    plsc.subcore_barrier()
    pltpu.sync_copy(acc_sh.at[pl.ds(s * ROWS_PER_TILE, ROWS_PER_TILE)],
                    out_hbm.at[pl.ds(base, ROWS_PER_TILE)])


def _dinv_of(pd_ref):
    deg = pd_ref[0, :, 0] + pd_ref[1, :, 0] + 1.0
    return lax.rsqrt(deg)


def _mm1a_body(x_ref, w_ref, h_ref):
    h_ref[...] = jnp.dot(x_ref[...], w_ref[...],
                         preferred_element_type=jnp.float32)


def _mm1b_body(pd_ref, h_ref, g_ref):
    dinv = _dinv_of(pd_ref)
    g = h_ref[...] * dinv[:, None]
    g_ref[0] = g[:, :DH]
    g_ref[1] = g[:, DH:]


def _mm2_body(pd_ref, a_ref, b_ref, w_ref, g_ref):
    dinv = _dinv_of(pd_ref)
    a = jnp.concatenate([a_ref[0], a_ref[1]], axis=1)
    h = jnp.maximum(a * dinv[:, None] + b_ref[...], 0.0)
    g = jnp.dot(h, w_ref[...], preferred_element_type=jnp.float32) * dinv[:, None]
    g_ref[0] = g[:, :DH]
    g_ref[1] = g[:, DH:]


def _fin_body(pd_ref, a_ref, b_ref, o_ref):
    dinv = _dinv_of(pd_ref)
    a = jnp.concatenate([a_ref[0], a_ref[1]], axis=1)
    o_ref[...] = a * dinv[:, None] + b_ref[...]


_PD_SPEC = pl.BlockSpec((2, BLK, DEG_W), lambda i: (0, i, 0))
_HALVES_SPEC = pl.BlockSpec((2, BLK, DH), lambda i: (0, i, 0))
_FULL_SPEC = pl.BlockSpec((BLK, D), lambda i: (i, 0))
_W_SPEC = pl.BlockSpec((D, D), lambda i: (0, 0))
_B_SPEC = pl.BlockSpec((1, D), lambda i: (0, 0))

_mm1a = pl.pallas_call(
    _mm1a_body,
    grid=(NP // BLK,),
    in_specs=[_FULL_SPEC, _W_SPEC],
    out_specs=_FULL_SPEC,
    out_shape=jax.ShapeDtypeStruct((NP, D), jnp.float32),
)

_mm1b = pl.pallas_call(
    _mm1b_body,
    grid=(NP // BLK,),
    in_specs=[_PD_SPEC, _FULL_SPEC],
    out_specs=_HALVES_SPEC,
    out_shape=jax.ShapeDtypeStruct((2, NP, DH), jnp.float32),
)

_mm2 = pl.pallas_call(
    _mm2_body,
    grid=(NP // BLK,),
    in_specs=[_PD_SPEC, _HALVES_SPEC, _B_SPEC, _W_SPEC],
    out_specs=_HALVES_SPEC,
    out_shape=jax.ShapeDtypeStruct((2, NP, DH), jnp.float32),
)

_fin = pl.pallas_call(
    _fin_body,
    grid=(NP // BLK,),
    in_specs=[_PD_SPEC, _HALVES_SPEC, _B_SPEC],
    out_specs=_FULL_SPEC,
    out_shape=jax.ShapeDtypeStruct((NP, D), jnp.float32),
)


@jax.jit
def _run(x, src, dst, W1, b1, W2, b2):
    deg_pad_row = jnp.broadcast_to(
        N + jnp.arange(DEG_EDGES_PAD - DEG_EDGES_PER_TILE, dtype=jnp.int32),
        (NC * NS, DEG_EDGES_PAD - DEG_EDGES_PER_TILE))
    dst_deg = jnp.concatenate(
        [dst.reshape(NC * NS, DEG_EDGES_PER_TILE), deg_pad_row],
        axis=1).reshape(NC * NS, DEG_CHUNKS, ACH)
    padlen = AGG_EDGES_PAD - AGG_EDGES_PER_TILE
    pad_row = jnp.broadcast_to(
        N + (jnp.arange(padlen, dtype=jnp.int32) % (NP - N)), (NS, padlen))
    src_p = jnp.concatenate(
        [src.reshape(NS, AGG_EDGES_PER_TILE), pad_row],
        axis=1).reshape(NS, AGG_CHUNKS, ACH)
    src2 = jnp.stack([src_p, src_p + NP])
    dst_r = jnp.concatenate(
        [dst.reshape(NS, AGG_EDGES_PER_TILE), pad_row],
        axis=1).reshape(NS, AGG_CHUNKS, ACH)
    b1r = b1.reshape(1, D)
    b2r = b2.reshape(1, D)

    xp = jnp.pad(x, ((0, NP - N), (0, 0)))
    h1 = _mm1a(xp, W1)
    pd = _deg_kernel(dst_deg).reshape(NC, NP, DEG_W)
    g1 = _mm1b(pd, h1)
    a1 = _agg_kernel(g1.reshape(NC * NP, DH), src2, dst_r)
    g2 = _mm2(pd, a1.reshape(NC, NP, DH), b1r, W2)
    a2 = _agg_kernel(g2.reshape(NC * NP, DH), src2, dst_r)
    return _fin(pd, a2.reshape(NC, NP, DH), b2r)[:N]


def kernel(x, edge_index, W1, b1, W2, b2):
    src = edge_index[0].astype(jnp.int32)
    dst = edge_index[1].astype(jnp.int32)
    return _run(x, src, dst, W1, b1, W2, b2)

# --- scband reference (transcript-rebuilt; emitter-appended) ---
"""Pipeline reference for scband-ofa-78357383348248 (READ-ONLY COPY).

The authoritative reference and input builder live on the scoring server;
editing this copy changes nothing except your own understanding.
"""

import jax, jax.numpy as jnp
import numpy as np

N_NODES = 10000
N_EDGES = 320000
D_IN = 128
D_HID = 128
D_OUT = 128


def setup_inputs(seed: int = 0) -> dict:
    key = jax.random.key(seed)
    k1, k2, k3, k4, k5, k6 = jax.random.split(key, 6)
    x = jax.random.normal(k1, (N_NODES, D_IN), dtype=jnp.float32)
    edge_index = jax.random.randint(k2, (2, N_EDGES), 0, N_NODES, dtype=jnp.int64)
    # GCNConv learned params (glorot-ish init)
    W1 = jax.random.normal(k3, (D_IN, D_HID), dtype=jnp.float32) * (1.0 / np.sqrt(D_IN))
    b1 = jnp.zeros((D_HID,), dtype=jnp.float32)
    W2 = jax.random.normal(k4, (D_HID, D_OUT), dtype=jnp.float32) * (1.0 / np.sqrt(D_HID))
    b2 = jnp.zeros((D_OUT,), dtype=jnp.float32)
    return {"x": x, "edge_index": edge_index, "W1": W1, "b1": b1, "W2": W2, "b2": b2}


def _gcn_conv(x, edge_index, W, b):
    # PyG-style GCNConv: add self-loops, symmetric normalization, scatter-add aggregation
    n = x.shape[0]
    h = x @ W
    loop = jnp.arange(n, dtype=edge_index.dtype)
    src = jnp.concatenate([edge_index[0], loop])
    dst = jnp.concatenate([edge_index[1], loop])
    deg = jnp.zeros((n,), dtype=h.dtype).at[dst].add(1.0)
    dinv = jnp.where(deg > 0, deg ** -0.5, 0.0)
    norm = dinv[src] * dinv[dst]
    msg = h[src] * norm[:, None]
    out = jnp.zeros_like(h).at[dst].add(msg)
    return out + b


def reference(x, edge_index, W1, b1, W2, b2):
    # GCNEncoder.forward (dropout is identity in eval mode)
    h = _gcn_conv(x, edge_index, W1, b1)
    h = jax.nn.relu(h)
    out = _gcn_conv(h, edge_index, W2, b2)
    return out

if __name__ == "__main__":
    import jax
    _d = setup_inputs()
    print(jax.jit(kernel)(*tuple(_d.values())))

</pallas_src>

<mosaic_0001>
#map = affine_map<(d0, d1) -> (0, 0, 0)>
#map1 = affine_map<(d0, d1) -> (0, 0)>
module attributes {stable_mosaic.version = 14 : i64} {
  func.func @_deg_kernel(%arg0: i32, %arg1: i32, %arg2: memref<32x80x128xi32, #tpu.memory_space<hbm>>, %arg3: memref<20480x16xf32, #tpu.memory_space<hbm>>, %arg4: memref<80x128xi32, #tpu.memory_space<vmem>>, %arg5: memref<128x16xf32, #tpu.memory_space<vmem>>, %arg6: memref<640x16xf32, #tpu.memory_space<vmem>>, %arg7: memref<10240x16xf32, #tpu.memory_space<vmem_shared>>, %arg8: memref<!tpu.dma_semaphore, #tpu.memory_space<semaphore_mem>>, %arg9: memref<!tpu.dma_semaphore, #tpu.memory_space<semaphore_mem>>, %arg10: memref<!tpu.dma_semaphore, #tpu.memory_space<semaphore_mem>>, %arg11: memref<!tpu.dma_semaphore, #tpu.memory_space<semaphore_mem>>) attributes {dimension_semantics = [#tpu.dimension_semantics<core_parallel>, #tpu.dimension_semantics<subcore_parallel>], iteration_bounds = array<i64: 2, 16>, scalar_prefetch = 0 : i64, scratch_operands = 8 : i64, tpu.core_type = #tpu.core_type<sc_vector_subcore>, window_params = [{transform_indices = #map}, {transform_indices = #map1}]} {
    %mul3A = arith.constant 16 : i32
    %mul3A_0 = arith.muli %arg0, %mul3A : i32
    %add3A = arith.addi %mul3A_0, %arg1 : i32
    %broadcast_in_dim3A = arith.constant 1.000000e+00 : f32
    %broadcast_in_dim3A_1 = vector.broadcast %broadcast_in_dim3A : f32 to vector<16xf32>
    %broadcast_in_dim3A_2 = arith.constant 0.000000e+00 : f32
    %broadcast_in_dim3A_3 = vector.broadcast %broadcast_in_dim3A_2 : f32 to vector<16xf32>
    %scan3A = arith.constant 0 : i32
    %scan3A_4 = arith.constant 128 : i32
    %scan3A_5 = arith.addi %scan3A, %scan3A_4 : i32
    %scan3A_6 = arith.constant 1 : i32
    scf.for %scan3A_82 = %scan3A to %scan3A_5 step %scan3A_6  : i32 {
      %mul3A_83 = arith.constant 1 : i32
      %mul3A_84 = arith.muli %scan3A_82, %mul3A_83 : i32
      %add3A_85 = arith.constant 0 : i32
      %add3A_86 = arith.addi %add3A_85, %mul3A_84 : i32
      %swap3A = arith.index_cast %add3A_86 : i32 to index
      %swap3A_87 = arith.constant 0 : index
      %swap3A_88 = tpu.vector_load %arg5[%swap3A, %swap3A_87] {strides = array<i32>} : memref<128x16xf32, #tpu.memory_space<vmem>>, vector<1x16xf32>,
      %swap3A_89 = vector.shape_cast %swap3A_88 : vector<1x16xf32> to vector<16xf32>
      %swap3A_90 = vector.shape_cast %broadcast_in_dim3A_1 : vector<16xf32> to vector<1x16xf32>
      tpu.vector_store %arg5[%swap3A, %swap3A_87], %swap3A_90 {strides = array<i32>} : memref<128x16xf32, #tpu.memory_space<vmem>>, vector<1x16xf32>,
    }
    %scan3A_7 = arith.constant 128 : i32
    %scan3A_8 = arith.constant 0 : i32
    %scan3A_9 = arith.constant 640 : i32
    %scan3A_10 = arith.addi %scan3A_8, %scan3A_9 : i32
    %scan3A_11 = arith.constant 1 : i32
    scf.for %scan3A_82 = %scan3A_8 to %scan3A_10 step %scan3A_11  : i32 {
      %mul3A_83 = arith.constant 1 : i32
      %mul3A_84 = arith.muli %scan3A_82, %mul3A_83 : i32
      %add3A_85 = arith.constant 0 : i32
      %add3A_86 = arith.addi %add3A_85, %mul3A_84 : i32
      %swap3A = arith.index_cast %add3A_86 : i32 to index
      %swap3A_87 = arith.constant 0 : index
      %swap3A_88 = tpu.vector_load %arg6[%swap3A, %swap3A_87] {strides = array<i32>} : memref<640x16xf32, #tpu.memory_space<vmem>>, vector<1x16xf32>,
      %swap3A_89 = vector.shape_cast %swap3A_88 : vector<1x16xf32> to vector<16xf32>
      %swap3A_90 = vector.shape_cast %broadcast_in_dim3A_3 : vector<16xf32> to vector<1x16xf32>
      tpu.vector_store %arg6[%swap3A, %swap3A_87], %swap3A_90 {strides = array<i32>} : memref<640x16xf32, #tpu.memory_space<vmem>>, vector<1x16xf32>,
    }
    %scan3A_12 = arith.constant 640 : i32
    %mul3A_13 = arith.constant 640 : i32
    %mul3A_14 = arith.muli %arg1, %mul3A_13 : i32
    "tpu.region"() ({
      %run_scoped3A = tpu.sem_alloc : memref<!tpu.dma_semaphore, #tpu.memory_space<semaphore_mem>>
      %dma_start3A_82 = arith.constant 0 : i32
      %dma_start3A_83 = tpu.memref_slice %arg7[%mul3A_14, %dma_start3A_82] : memref<10240x16xf32, #tpu.memory_space<vmem_shared>> -> memref<640x16xf32, #tpu.memory_space<vmem_shared>>
      %dma_start3A_84 = arith.constant 0 : i32
      %dma_start3A_85 = tpu.memref_slice %arg7[%mul3A_14, %dma_start3A_84] : memref<10240x16xf32, #tpu.memory_space<vmem_shared>> -> memref<640x16xf32, #tpu.memory_space<vmem_shared>>
      tpu.enqueue_dma source(%arg6 : memref<640x16xf32, #tpu.memory_space<vmem>>) target(%dma_start3A_85 : memref<640x16xf32, #tpu.memory_space<vmem_shared>>) target_semaphore(%run_scoped3A : memref<!tpu.dma_semaphore, #tpu.memory_space<semaphore_mem>>)
      %dma_wait3A_86 = arith.constant 0 : i32
      %dma_wait3A_87 = tpu.memref_slice %arg7[%mul3A_14, %dma_wait3A_86] : memref<10240x16xf32, #tpu.memory_space<vmem_shared>> -> memref<640x16xf32, #tpu.memory_space<vmem_shared>>
      %dma_wait3A_88 = arith.constant 0 : i32
      %dma_wait3A_89 = tpu.memref_slice %arg7[%mul3A_14, %dma_wait3A_88] : memref<10240x16xf32, #tpu.memory_space<vmem_shared>> -> memref<640x16xf32, #tpu.memory_space<vmem_shared>>
      tpu.wait_dma2 semaphore(%run_scoped3A : memref<!tpu.dma_semaphore, #tpu.memory_space<semaphore_mem>>) src(%arg6 : memref<640x16xf32, #tpu.memory_space<vmem>>) dst(%dma_wait3A_89 : memref<640x16xf32, #tpu.memory_space<vmem_shared>>)
      tpu.yield
    }) : () -> ()
    "tpu.region"() ({
      %run_scoped3A = tpu.sem_alloc : memref<!tpu.dma_semaphore, #tpu.memory_space<semaphore_mem>>
      %dma_start3A_82 = arith.constant 0 : i32
      %dma_start3A_83 = arith.constant 0 : i32
      %dma_start3A_84 = tpu.memref_slice %arg2[%add3A, %dma_start3A_82, %dma_start3A_83] : memref<32x80x128xi32, #tpu.memory_space<hbm>> -> memref<1x80x128xi32, #tpu.memory_space<hbm>>
      %dma_start3A_85 = tpu.memref_squeeze %dma_start3A_84 : memref<1x80x128xi32, #tpu.memory_space<hbm>> -> memref<80x128xi32, #tpu.memory_space<hbm>>
      %dma_start3A_86 = arith.constant 0 : i32
      %dma_start3A_87 = arith.constant 0 : i32
      %dma_start3A_88 = tpu.memref_slice %arg2[%add3A, %dma_start3A_86, %dma_start3A_87] : memref<32x80x128xi32, #tpu.memory_space<hbm>> -> memref<1x80x128xi32, #tpu.memory_space<hbm>>
      %dma_start3A_89 = tpu.memref_squeeze %dma_start3A_88 : memref<1x80x128xi32, #tpu.memory_space<hbm>> -> memref<80x128xi32, #tpu.memory_space<hbm>>
      tpu.enqueue_dma source(%dma_start3A_89 : memref<80x128xi32, #tpu.memory_space<hbm>>) target(%arg4 : memref<80x128xi32, #tpu.memory_space<vmem>>) target_semaphore(%run_scoped3A : memref<!tpu.dma_semaphore, #tpu.memory_space<semaphore_mem>>)
      %dma_wait3A_90 = arith.constant 0 : i32
      %dma_wait3A_91 = arith.constant 0 : i32
      %dma_wait3A_92 = tpu.memref_slice %arg2[%add3A, %dma_wait3A_90, %dma_wait3A_91] : memref<32x80x128xi32, #tpu.memory_space<hbm>> -> memref<1x80x128xi32, #tpu.memory_space<hbm>>
      %dma_wait3A_93 = tpu.memref_squeeze %dma_wait3A_92 : memref<1x80x128xi32, #tpu.memory_space<hbm>> -> memref<80x128xi32, #tpu.memory_space<hbm>>
      %dma_wait3A_94 = arith.constant 0 : i32
      %dma_wait3A_95 = arith.constant 0 : i32
      %dma_wait3A_96 = tpu.memref_slice %arg2[%add3A, %dma_wait3A_94, %dma_wait3A_95] : memref<32x80x128xi32, #tpu.memory_space<hbm>> -> memref<1x80x128xi32, #tpu.memory_space<hbm>>
      %dma_wait3A_97 = tpu.memref_squeeze %dma_wait3A_96 : memref<1x80x128xi32, #tpu.memory_space<hbm>> -> memref<80x128xi32, #tpu.memory_space<hbm>>
      tpu.wait_dma2 semaphore(%run_scoped3A : memref<!tpu.dma_semaphore, #tpu.memory_space<semaphore_mem>>) src(%dma_wait3A_97 : memref<80x128xi32, #tpu.memory_space<hbm>>) dst(%arg4 : memref<80x128xi32, #tpu.memory_space<vmem>>)
      tpu.yield
    }) : () -> ()
    %barrier3A = arith.constant 0 : index
    tpu.barrier barrier_id(%barrier3A)
    %dma_start3A = arith.constant 0 : i32
    %dma_start3A_15 = arith.constant 0 : i32
    %dma_start3A_16 = tpu.memref_slice %arg4[%dma_start3A, %dma_start3A_15] : memref<80x128xi32, #tpu.memory_space<vmem>> -> memref<1x128xi32, #tpu.memory_space<vmem>>
    %dma_start3A_17 = tpu.memref_squeeze %dma_start3A_16 : memref<1x128xi32, #tpu.memory_space<vmem>> -> memref<128xi32, #tpu.memory_space<vmem>>
    %dma_start3A_18 = arith.constant 0 : i32
    %dma_start3A_19 = arith.constant 0 : i32
    %dma_start3A_20 = tpu.memref_slice %arg7[%dma_start3A_18, %dma_start3A_19] : memref<10240x16xf32, #tpu.memory_space<vmem_shared>> -> memref<10240x16xf32, #tpu.memory_space<vmem_shared>>
    tpu.enqueue_indirect_dma source(%arg5 : memref<128x16xf32, #tpu.memory_space<vmem>>) target(%dma_start3A_20 : memref<10240x16xf32, #tpu.memory_space<vmem_shared>>) offsets(%dma_start3A_17 : memref<128xi32, #tpu.memory_space<vmem>>) semaphore(%arg8 : memref<!tpu.dma_semaphore, #tpu.memory_space<semaphore_mem>>) {add = true}
    %dma_start3A_21 = arith.constant 1 : i32
    %dma_start3A_22 = arith.constant 0 : i32
    %dma_start3A_23 = tpu.memref_slice %arg4[%dma_start3A_21, %dma_start3A_22] : memref<80x128xi32, #tpu.memory_space<vmem>> -> memref<1x128xi32, #tpu.memory_space<vmem>>
    %dma_start3A_24 = tpu.memref_squeeze %dma_start3A_23 : memref<1x128xi32, #tpu.memory_space<vmem>> -> memref<128xi32, #tpu.memory_space<vmem>>
    %dma_start3A_25 = arith.constant 0 : i32
    %dma_start3A_26 = arith.constant 0 : i32
    %dma_start3A_27 = tpu.memref_slice %arg7[%dma_start3A_25, %dma_start3A_26] : memref<10240x16xf32, #tpu.memory_space<vmem_shared>> -> memref<10240x16xf32, #tpu.memory_space<vmem_shared>>
    tpu.enqueue_indirect_dma source(%arg5 : memref<128x16xf32, #tpu.memory_space<vmem>>) target(%dma_start3A_27 : memref<10240x16xf32, #tpu.memory_space<vmem_shared>>) offsets(%dma_start3A_24 : memref<128xi32, #tpu.memory_space<vmem>>) semaphore(%arg9 : memref<!tpu.dma_semaphore, #tpu.memory_space<semaphore_mem>>) {add = true}
    %dma_start3A_28 = arith.constant 2 : i32
    %dma_start3A_29 = arith.constant 0 : i32
    %dma_start3A_30 = tpu.memref_slice %arg4[%dma_start3A_28, %dma_start3A_29] : memref<80x128xi32, #tpu.memory_space<vmem>> -> memref<1x128xi32, #tpu.memory_space<vmem>>
    %dma_start3A_31 = tpu.memref_squeeze %dma_start3A_30 : memref<1x128xi32, #tpu.memory_space<vmem>> -> memref<128xi32, #tpu.memory_space<vmem>>
    %dma_start3A_32 = arith.constant 0 : i32
    %dma_start3A_33 = arith.constant 0 : i32
    %dma_start3A_34 = tpu.memref_slice %arg7[%dma_start3A_32, %dma_start3A_33] : memref<10240x16xf32, #tpu.memory_space<vmem_shared>> -> memref<10240x16xf32, #tpu.memory_space<vmem_shared>>
    tpu.enqueue_indirect_dma source(%arg5 : memref<128x16xf32, #tpu.memory_space<vmem>>) target(%dma_start3A_34 : memref<10240x16xf32, #tpu.memory_space<vmem_shared>>) offsets(%dma_start3A_31 : memref<128xi32, #tpu.memory_space<vmem>>) semaphore(%arg10 : memref<!tpu.dma_semaphore, #tpu.memory_space<semaphore_mem>>) {add = true}
    %dma_start3A_35 = arith.constant 3 : i32
    %dma_start3A_36 = arith.constant 0 : i32
    %dma_start3A_37 = tpu.memref_slice %arg4[%dma_start3A_35, %dma_start3A_36] : memref<80x128xi32, #tpu.memory_space<vmem>> -> memref<1x128xi32, #tpu.memory_space<vmem>>
    %dma_start3A_38 = tpu.memref_squeeze %dma_start3A_37 : memref<1x128xi32, #tpu.memory_space<vmem>> -> memref<128xi32, #tpu.memory_space<vmem>>
    %dma_start3A_39 = arith.constant 0 : i32
    %dma_start3A_40 = arith.constant 0 : i32
    %dma_start3A_41 = tpu.memref_slice %arg7[%dma_start3A_39, %dma_start3A_40] : memref<10240x16xf32, #tpu.memory_space<vmem_shared>> -> memref<10240x16xf32, #tpu.memory_space<vmem_shared>>
    tpu.enqueue_indirect_dma source(%arg5 : memref<128x16xf32, #tpu.memory_space<vmem>>) target(%dma_start3A_41 : memref<10240x16xf32, #tpu.memory_space<vmem_shared>>) offsets(%dma_start3A_38 : memref<128xi32, #tpu.memory_space<vmem>>) semaphore(%arg11 : memref<!tpu.dma_semaphore, #tpu.memory_space<semaphore_mem>>) {add = true}
    %scan3A_42 = arith.constant 0 : i32
    %scan3A_43 = arith.constant 19 : i32
    %scan3A_44 = arith.addi %scan3A_42, %scan3A_43 : i32
    %scan3A_45 = arith.constant 1 : i32
    scf.for %scan3A_82 = %scan3A_42 to %scan3A_44 step %scan3A_45  : i32 {
      %mul3A_83 = arith.constant 4 : i32
      %mul3A_84 = arith.muli %scan3A_82, %mul3A_83 : i32
      %add3A_85 = arith.constant 4 : i32
      %add3A_86 = arith.addi %add3A_85, %mul3A_84 : i32
      %add3A_87 = arith.constant 0 : i32
      %add3A_88 = arith.addi %add3A_86, %add3A_87 : i32
      %sub3A = arith.constant 4 : i32
      %sub3A_89 = arith.subi %add3A_88, %sub3A : i32
      %dma_wait3A_90 = arith.constant 0 : i32
      %dma_wait3A_91 = tpu.memref_slice %arg4[%sub3A_89, %dma_wait3A_90] : memref<80x128xi32, #tpu.memory_space<vmem>> -> memref<1x128xi32, #tpu.memory_space<vmem>>
      %dma_wait3A_92 = tpu.memref_squeeze %dma_wait3A_91 : memref<1x128xi32, #tpu.memory_space<vmem>> -> memref<128xi32, #tpu.memory_space<vmem>>
      %dma_wait3A_93 = arith.constant 0 : i32
      %dma_wait3A_94 = arith.constant 0 : i32
      %dma_wait3A_95 = tpu.memref_slice %arg7[%dma_wait3A_93, %dma_wait3A_94] : memref<10240x16xf32, #tpu.memory_space<vmem_shared>> -> memref<10240x16xf32, #tpu.memory_space<vmem_shared>>
      tpu.wait_indirect_dma semaphore(%arg8 : memref<!tpu.dma_semaphore, #tpu.memory_space<semaphore_mem>>) src(%arg5 : memref<128x16xf32, #tpu.memory_space<vmem>>) dst(%dma_wait3A_95 : memref<10240x16xf32, #tpu.memory_space<vmem_shared>>)
      %add3A_96 = arith.constant 0 : i32
      %add3A_97 = arith.addi %add3A_86, %add3A_96 : i32
      %dma_start3A_98 = arith.constant 0 : i32
      %dma_start3A_99 = tpu.memref_slice %arg4[%add3A_97, %dma_start3A_98] : memref<80x128xi32, #tpu.memory_space<vmem>> -> memref<1x128xi32, #tpu.memory_space<vmem>>
      %dma_start3A_100 = tpu.memref_squeeze %dma_start3A_99 : memref<1x128xi32, #tpu.memory_space<vmem>> -> memref<128xi32, #tpu.memory_space<vmem>>
      %dma_start3A_101 = arith.constant 0 : i32
      %dma_start3A_102 = arith.constant 0 : i32
      %dma_start3A_103 = tpu.memref_slice %arg7[%dma_start3A_101, %dma_start3A_102] : memref<10240x16xf32, #tpu.memory_space<vmem_shared>> -> memref<10240x16xf32, #tpu.memory_space<vmem_shared>>
      tpu.enqueue_indirect_dma source(%arg5 : memref<128x16xf32, #tpu.memory_space<vmem>>) target(%dma_start3A_103 : memref<10240x16xf32, #tpu.memory_space<vmem_shared>>) offsets(%dma_start3A_100 : memref<128xi32, #tpu.memory_space<vmem>>) semaphore(%arg8 : memref<!tpu.dma_semaphore, #tpu.memory_space<semaphore_mem>>) {add = true}
      %add3A_104 = arith.constant 1 : i32
      %add3A_105 = arith.addi %add3A_86, %add3A_104 : i32
      %sub3A_106 = arith.constant 4 : i32
      %sub3A_107 = arith.subi %add3A_105, %sub3A_106 : i32
      %dma_wait3A_108 = arith.constant 0 : i32
      %dma_wait3A_109 = tpu.memref_slice %arg4[%sub3A_107, %dma_wait3A_108] : memref<80x128xi32, #tpu.memory_space<vmem>> -> memref<1x128xi32, #tpu.memory_space<vmem>>
      %dma_wait3A_110 = tpu.memref_squeeze %dma_wait3A_109 : memref<1x128xi32, #tpu.memory_space<vmem>> -> memref<128xi32, #tpu.memory_space<vmem>>
      %dma_wait3A_111 = arith.constant 0 : i32
      %dma_wait3A_112 = arith.constant 0 : i32
      %dma_wait3A_113 = tpu.memref_slice %arg7[%dma_wait3A_111, %dma_wait3A_112] : memref<10240x16xf32, #tpu.memory_space<vmem_shared>> -> memref<10240x16xf32, #tpu.memory_space<vmem_shared>>
      tpu.wait_indirect_dma semaphore(%arg9 : memref<!tpu.dma_semaphore, #tpu.memory_space<semaphore_mem>>) src(%arg5 : memref<128x16xf32, #tpu.memory_space<vmem>>) dst(%dma_wait3A_113 : memref<10240x16xf32, #tpu.memory_space<vmem_shared>>)
      %add3A_114 = arith.constant 1 : i32
      %add3A_115 = arith.addi %add3A_86, %add3A_114 : i32
      %dma_start3A_116 = arith.constant 0 : i32
      %dma_start3A_117 = tpu.memref_slice %arg4[%add3A_115, %dma_start3A_116] : memref<80x128xi32, #tpu.memory_space<vmem>> -> memref<1x128xi32, #tpu.memory_space<vmem>>
      %dma_start3A_118 = tpu.memref_squeeze %dma_start3A_117 : memref<1x128xi32, #tpu.memory_space<vmem>> -> memref<128xi32, #tpu.memory_space<vmem>>
      %dma_start3A_119 = arith.constant 0 : i32
      %dma_start3A_120 = arith.constant 0 : i32
      %dma_start3A_121 = tpu.memref_slice %arg7[%dma_start3A_119, %dma_start3A_120] : memref<10240x16xf32, #tpu.memory_space<vmem_shared>> -> memref<10240x16xf32, #tpu.memory_space<vmem_shared>>
      tpu.enqueue_indirect_dma source(%arg5 : memref<128x16xf32, #tpu.memory_space<vmem>>) target(%dma_start3A_121 : memref<10240x16xf32, #tpu.memory_space<vmem_shared>>) offsets(%dma_start3A_118 : memref<128xi32, #tpu.memory_space<vmem>>) semaphore(%arg9 : memref<!tpu.dma_semaphore, #tpu.memory_space<semaphore_mem>>) {add = true}
      %add3A_122 = arith.constant 2 : i32
      %add3A_123 = arith.addi %add3A_86, %add3A_122 : i32
      %sub3A_124 = arith.constant 4 : i32
      %sub3A_125 = arith.subi %add3A_123, %sub3A_124 : i32
      %dma_wait3A_126 = arith.constant 0 : i32
      %dma_wait3A_127 = tpu.memref_slice %arg4[%sub3A_125, %dma_wait3A_126] : memref<80x128xi32, #tpu.memory_space<vmem>> -> memref<1x128xi32, #tpu.memory_space<vmem>>
      %dma_wait3A_128 = tpu.memref_squeeze %dma_wait3A_127 : memref<1x128xi32, #tpu.memory_space<vmem>> -> memref<128xi32, #tpu.memory_space<vmem>>
      %dma_wait3A_129 = arith.constant 0 : i32
      %dma_wait3A_130 = arith.constant 0 : i32
      %dma_wait3A_131 = tpu.memref_slice %arg7[%dma_wait3A_129, %dma_wait3A_130] : memref<10240x16xf32, #tpu.memory_space<vmem_shared>> -> memref<10240x16xf32, #tpu.memory_space<vmem_shared>>
      tpu.wait_indirect_dma semaphore(%arg10 : memref<!tpu.dma_semaphore, #tpu.memory_space<semaphore_mem>>) src(%arg5 : memref<128x16xf32, #tpu.memory_space<vmem>>) dst(%dma_wait3A_131 : memref<10240x16xf32, #tpu.memory_space<vmem_shared>>)
      %add3A_132 = arith.constant 2 : i32
      %add3A_133 = arith.addi %add3A_86, %add3A_132 : i32
      %dma_start3A_134 = arith.constant 0 : i32
      %dma_start3A_135 = tpu.memref_slice %arg4[%add3A_133, %dma_start3A_134] : memref<80x128xi32, #tpu.memory_space<vmem>> -> memref<1x128xi32, #tpu.memory_space<vmem>>
      %dma_start3A_136 = tpu.memref_squeeze %dma_start3A_135 : memref<1x128xi32, #tpu.memory_space<vmem>> -> memref<128xi32, #tpu.memory_space<vmem>>
      %dma_start3A_137 = arith.constant 0 : i32
      %dma_start3A_138 = arith.constant 0 : i32
      %dma_start3A_139 = tpu.memref_slice %arg7[%dma_start3A_137, %dma_start3A_138] : memref<10240x16xf32, #tpu.memory_space<vmem_shared>> -> memref<10240x16xf32, #tpu.memory_space<vmem_shared>>
      tpu.enqueue_indirect_dma source(%arg5 : memref<128x16xf32, #tpu.memory_space<vmem>>) target(%dma_start3A_139 : memref<10240x16xf32, #tpu.memory_space<vmem_shared>>) offsets(%dma_start3A_136 : memref<128xi32, #tpu.memory_space<vmem>>) semaphore(%arg10 : memref<!tpu.dma_semaphore, #tpu.memory_space<semaphore_mem>>) {add = true}
      %add3A_140 = arith.constant 3 : i32
      %add3A_141 = arith.addi %add3A_86, %add3A_140 : i32
      %sub3A_142 = arith.constant 4 : i32
      %sub3A_143 = arith.subi %add3A_141, %sub3A_142 : i32
      %dma_wait3A_144 = arith.constant 0 : i32
      %dma_wait3A_145 = tpu.memref_slice %arg4[%sub3A_143, %dma_wait3A_144] : memref<80x128xi32, #tpu.memory_space<vmem>> -> memref<1x128xi32, #tpu.memory_space<vmem>>
      %dma_wait3A_146 = tpu.memref_squeeze %dma_wait3A_145 : memref<1x128xi32, #tpu.memory_space<vmem>> -> memref<128xi32, #tpu.memory_space<vmem>>
      %dma_wait3A_147 = arith.constant 0 : i32
      %dma_wait3A_148 = arith.constant 0 : i32
      %dma_wait3A_149 = tpu.memref_slice %arg7[%dma_wait3A_147, %dma_wait3A_148] : memref<10240x16xf32, #tpu.memory_space<vmem_shared>> -> memref<10240x16xf32, #tpu.memory_space<vmem_shared>>
      tpu.wait_indirect_dma semaphore(%arg11 : memref<!tpu.dma_semaphore, #tpu.memory_space<semaphore_mem>>) src(%arg5 : memref<128x16xf32, #tpu.memory_space<vmem>>) dst(%dma_wait3A_149 : memref<10240x16xf32, #tpu.memory_space<vmem_shared>>)
      %add3A_150 = arith.constant 3 : i32
      %add3A_151 = arith.addi %add3A_86, %add3A_150 : i32
      %dma_start3A_152 = arith.constant 0 : i32
      %dma_start3A_153 = tpu.memref_slice %arg4[%add3A_151, %dma_start3A_152] : memref<80x128xi32, #tpu.memory_space<vmem>> -> memref<1x128xi32, #tpu.memory_space<vmem>>
      %dma_start3A_154 = tpu.memref_squeeze %dma_start3A_153 : memref<1x128xi32, #tpu.memory_space<vmem>> -> memref<128xi32, #tpu.memory_space<vmem>>
      %dma_start3A_155 = arith.constant 0 : i32
      %dma_start3A_156 = arith.constant 0 : i32
      %dma_start3A_157 = tpu.memref_slice %arg7[%dma_start3A_155, %dma_start3A_156] : memref<10240x16xf32, #tpu.memory_space<vmem_shared>> -> memref<10240x16xf32, #tpu.memory_space<vmem_shared>>
      tpu.enqueue_indirect_dma source(%arg5 : memref<128x16xf32, #tpu.memory_space<vmem>>) target(%dma_start3A_157 : memref<10240x16xf32, #tpu.memory_space<vmem_shared>>) offsets(%dma_start3A_154 : memref<128xi32, #tpu.memory_space<vmem>>) semaphore(%arg11 : memref<!tpu.dma_semaphore, #tpu.memory_space<semaphore_mem>>) {add = true}
    }
    %scan3A_46 = arith.constant 19 : i32
    %dma_wait3A = arith.constant 76 : i32
    %dma_wait3A_47 = arith.constant 0 : i32
    %dma_wait3A_48 = tpu.memref_slice %arg4[%dma_wait3A, %dma_wait3A_47] : memref<80x128xi32, #tpu.memory_space<vmem>> -> memref<1x128xi32, #tpu.memory_space<vmem>>
    %dma_wait3A_49 = tpu.memref_squeeze %dma_wait3A_48 : memref<1x128xi32, #tpu.memory_space<vmem>> -> memref<128xi32, #tpu.memory_space<vmem>>
    %dma_wait3A_50 = arith.constant 0 : i32
    %dma_wait3A_51 = arith.constant 0 : i32
    %dma_wait3A_52 = tpu.memref_slice %arg7[%dma_wait3A_50, %dma_wait3A_51] : memref<10240x16xf32, #tpu.memory_space<vmem_shared>> -> memref<10240x16xf32, #tpu.memory_space<vmem_shared>>
    tpu.wait_indirect_dma semaphore(%arg8 : memref<!tpu.dma_semaphore, #tpu.memory_space<semaphore_mem>>) src(%arg5 : memref<128x16xf32, #tpu.memory_space<vmem>>) dst(%dma_wait3A_52 : memref<10240x16xf32, #tpu.memory_space<vmem_shared>>)
    %dma_wait3A_53 = arith.constant 77 : i32
    %dma_wait3A_54 = arith.constant 0 : i32
    %dma_wait3A_55 = tpu.memref_slice %arg4[%dma_wait3A_53, %dma_wait3A_54] : memref<80x128xi32, #tpu.memory_space<vmem>> -> memref<1x128xi32, #tpu.memory_space<vmem>>
    %dma_wait3A_56 = tpu.memref_squeeze %dma_wait3A_55 : memref<1x128xi32, #tpu.memory_space<vmem>> -> memref<128xi32, #tpu.memory_space<vmem>>
    %dma_wait3A_57 = arith.constant 0 : i32
    %dma_wait3A_58 = arith.constant 0 : i32
    %dma_wait3A_59 = tpu.memref_slice %arg7[%dma_wait3A_57, %dma_wait3A_58] : memref<10240x16xf32, #tpu.memory_space<vmem_shared>> -> memref<10240x16xf32, #tpu.memory_space<vmem_shared>>
    tpu.wait_indirect_dma semaphore(%arg9 : memref<!tpu.dma_semaphore, #tpu.memory_space<semaphore_mem>>) src(%arg5 : memref<128x16xf32, #tpu.memory_space<vmem>>) dst(%dma_wait3A_59 : memref<10240x16xf32, #tpu.memory_space<vmem_shared>>)
    %dma_wait3A_60 = arith.constant 78 : i32
    %dma_wait3A_61 = arith.constant 0 : i32
    %dma_wait3A_62 = tpu.memref_slice %arg4[%dma_wait3A_60, %dma_wait3A_61] : memref<80x128xi32, #tpu.memory_space<vmem>> -> memref<1x128xi32, #tpu.memory_space<vmem>>
    %dma_wait3A_63 = tpu.memref_squeeze %dma_wait3A_62 : memref<1x128xi32, #tpu.memory_space<vmem>> -> memref<128xi32, #tpu.memory_space<vmem>>
    %dma_wait3A_64 = arith.constant 0 : i32
    %dma_wait3A_65 = arith.constant 0 : i32
    %dma_wait3A_66 = tpu.memref_slice %arg7[%dma_wait3A_64, %dma_wait3A_65] : memref<10240x16xf32, #tpu.memory_space<vmem_shared>> -> memref<10240x16xf32, #tpu.memory_space<vmem_shared>>
    tpu.wait_indirect_dma semaphore(%arg10 : memref<!tpu.dma_semaphore, #tpu.memory_space<semaphore_mem>>) src(%arg5 : memref<128x16xf32, #tpu.memory_space<vmem>>) dst(%dma_wait3A_66 : memref<10240x16xf32, #tpu.memory_space<vmem_shared>>)
    %dma_wait3A_67 = arith.constant 79 : i32
    %dma_wait3A_68 = arith.constant 0 : i32
    %dma_wait3A_69 = tpu.memref_slice %arg4[%dma_wait3A_67, %dma_wait3A_68] : memref<80x128xi32, #tpu.memory_space<vmem>> -> memref<1x128xi32, #tpu.memory_space<vmem>>
    %dma_wait3A_70 = tpu.memref_squeeze %dma_wait3A_69 : memref<1x128xi32, #tpu.memory_space<vmem>> -> memref<128xi32, #tpu.memory_space<vmem>>
    %dma_wait3A_71 = arith.constant 0 : i32
    %dma_wait3A_72 = arith.constant 0 : i32
    %dma_wait3A_73 = tpu.memref_slice %arg7[%dma_wait3A_71, %dma_wait3A_72] : memref<10240x16xf32, #tpu.memory_space<vmem_shared>> -> memref<10240x16xf32, #tpu.memory_space<vmem_shared>>
    tpu.wait_indirect_dma semaphore(%arg11 : memref<!tpu.dma_semaphore, #tpu.memory_space<semaphore_mem>>) src(%arg5 : memref<128x16xf32, #tpu.memory_space<vmem>>) dst(%dma_wait3A_73 : memref<10240x16xf32, #tpu.memory_space<vmem_shared>>)
    %barrier3A_74 = arith.constant 0 : index
    tpu.barrier barrier_id(%barrier3A_74)
    %mul3A_75 = arith.constant 640 : i32
    %mul3A_76 = arith.muli %arg1, %mul3A_75 : i32
    %mul3A_77 = arith.constant 10240 : i32
    %mul3A_78 = arith.muli %arg0, %mul3A_77 : i32
    %mul3A_79 = arith.constant 640 : i32
    %mul3A_80 = arith.muli %arg1, %mul3A_79 : i32
    %add3A_81 = arith.addi %mul3A_78, %mul3A_80 : i32
    "tpu.region"() ({
      %run_scoped3A = tpu.sem_alloc : memref<!tpu.dma_semaphore, #tpu.memory_space<semaphore_mem>>
      %dma_start3A_82 = arith.constant 0 : i32
      %dma_start3A_83 = tpu.memref_slice %arg3[%add3A_81, %dma_start3A_82] : memref<20480x16xf32, #tpu.memory_space<hbm>> -> memref<640x16xf32, #tpu.memory_space<hbm>>
      %dma_start3A_84 = arith.constant 0 : i32
      %dma_start3A_85 = tpu.memref_slice %arg7[%mul3A_76, %dma_start3A_84] : memref<10240x16xf32, #tpu.memory_space<vmem_shared>> -> memref<640x16xf32, #tpu.memory_space<vmem_shared>>
      tpu.enqueue_dma source(%dma_start3A_85 : memref<640x16xf32, #tpu.memory_space<vmem_shared>>) target(%dma_start3A_83 : memref<640x16xf32, #tpu.memory_space<hbm>>) target_semaphore(%run_scoped3A : memref<!tpu.dma_semaphore, #tpu.memory_space<semaphore_mem>>)
      %dma_wait3A_86 = arith.constant 0 : i32
      %dma_wait3A_87 = tpu.memref_slice %arg3[%add3A_81, %dma_wait3A_86] : memref<20480x16xf32, #tpu.memory_space<hbm>> -> memref<640x16xf32, #tpu.memory_space<hbm>>
      %dma_wait3A_88 = arith.constant 0 : i32
      %dma_wait3A_89 = tpu.memref_slice %arg7[%mul3A_76, %dma_wait3A_88] : memref<10240x16xf32, #tpu.memory_space<vmem_shared>> -> memref<640x16xf32, #tpu.memory_space<vmem_shared>>
      tpu.wait_dma2 semaphore(%run_scoped3A : memref<!tpu.dma_semaphore, #tpu.memory_space<semaphore_mem>>) src(%dma_wait3A_89 : memref<640x16xf32, #tpu.memory_space<vmem_shared>>) dst(%dma_wait3A_87 : memref<640x16xf32, #tpu.memory_space<hbm>>)
      tpu.yield
    }) : () -> ()
    return
  }
}

#map = affine_map<(d0, d1) -> (0, 0)>
#map1 = affine_map<(d0, d1) -> (0, 0, 0, 0)>
#map2 = affine_map<(d0, d1) -> (0, 0, 0)>
module attributes {stable_mosaic.version = 14 : i64} {
  func.func @_agg_kernel(%arg0: i32, %arg1: i32, %arg2: memref<20480x64xf32, #tpu.memory_space<hbm>>, %arg3: memref<2x16x160x128xi32, #tpu.memory_space<hbm>>, %arg4: memref<16x160x128xi32, #tpu.memory_space<hbm>>, %arg5: memref<20480x64xf32, #tpu.memory_space<hbm>>, %arg6: memref<160x128xi32, #tpu.memory_space<vmem>>, %arg7: memref<160x128xi32, #tpu.memory_space<vmem>>, %arg8: memref<128x64xf32, #tpu.memory_space<vmem>>, %arg9: memref<128x64xf32, #tpu.memory_space<vmem>>, %arg10: memref<128x64xf32, #tpu.memory_space<vmem>>, %arg11: memref<128x64xf32, #tpu.memory_space<vmem>>, %arg12: memref<10240x64xf32, #tpu.memory_space<vmem_shared>>, %arg13: memref<!tpu.dma_semaphore, #tpu.memory_space<semaphore_mem>>, %arg14: memref<!tpu.dma_semaphore, #tpu.memory_space<semaphore_mem>>, %arg15: memref<!tpu.dma_semaphore, #tpu.memory_space<semaphore_mem>>, %arg16: memref<!tpu.dma_semaphore, #tpu.memory_space<semaphore_mem>>) attributes {dimension_semantics = [#tpu.dimension_semantics<core_parallel>, #tpu.dimension_semantics<subcore_parallel>], iteration_bounds = array<i64: 2, 16>, scalar_prefetch = 0 : i64, scratch_operands = 11 : i64, tpu.core_type = #tpu.core_type<sc_vector_subcore>, window_params = [{transform_indices = #map}, {transform_indices = #map1}, {transform_indices = #map2}, {transform_indices = #map}]} {
    %mul3A = arith.constant 10240 : i32
    %mul3A_0 = arith.muli %arg0, %mul3A : i32
    %mul3A_1 = arith.constant 640 : i32
    %mul3A_2 = arith.muli %arg1, %mul3A_1 : i32
    %add3A = arith.addi %mul3A_0, %mul3A_2 : i32
    %mul3A_3 = arith.constant 640 : i32
    %mul3A_4 = arith.muli %arg1, %mul3A_3 : i32
    "tpu.region"() ({
      %run_scoped3A = tpu.sem_alloc : memref<!tpu.dma_semaphore, #tpu.memory_space<semaphore_mem>>
      %dma_start3A_39 = arith.constant 0 : i32
      %dma_start3A_40 = tpu.memref_slice %arg12[%mul3A_4, %dma_start3A_39] : memref<10240x64xf32, #tpu.memory_space<vmem_shared>> -> memref<640x64xf32, #tpu.memory_space<vmem_shared>>
      %dma_start3A_41 = arith.constant 0 : i32
      %dma_start3A_42 = tpu.memref_slice %arg2[%add3A, %dma_start3A_41] : memref<20480x64xf32, #tpu.memory_space<hbm>> -> memref<640x64xf32, #tpu.memory_space<hbm>>
      tpu.enqueue_dma source(%dma_start3A_42 : memref<640x64xf32, #tpu.memory_space<hbm>>) target(%dma_start3A_40 : memref<640x64xf32, #tpu.memory_space<vmem_shared>>) target_semaphore(%run_scoped3A : memref<!tpu.dma_semaphore, #tpu.memory_space<semaphore_mem>>)
      %dma_wait3A = arith.constant 0 : i32
      %dma_wait3A_43 = tpu.memref_slice %arg12[%mul3A_4, %dma_wait3A] : memref<10240x64xf32, #tpu.memory_space<vmem_shared>> -> memref<640x64xf32, #tpu.memory_space<vmem_shared>>
      %dma_wait3A_44 = arith.constant 0 : i32
      %dma_wait3A_45 = tpu.memref_slice %arg2[%add3A, %dma_wait3A_44] : memref<20480x64xf32, #tpu.memory_space<hbm>> -> memref<640x64xf32, #tpu.memory_space<hbm>>
      tpu.wait_dma2 semaphore(%run_scoped3A : memref<!tpu.dma_semaphore, #tpu.memory_space<semaphore_mem>>) src(%dma_wait3A_45 : memref<640x64xf32, #tpu.memory_space<hbm>>) dst(%dma_wait3A_43 : memref<640x64xf32, #tpu.memory_space<vmem_shared>>)
      tpu.yield
    }) : () -> ()
    "tpu.region"() ({
      %run_scoped3A = tpu.sem_alloc : memref<!tpu.dma_semaphore, #tpu.memory_space<semaphore_mem>>
      %dma_start3A_39 = arith.constant 0 : i32
      %dma_start3A_40 = arith.constant 0 : i32
      %dma_start3A_41 = tpu.memref_slice %arg3[%arg0, %arg1, %dma_start3A_39, %dma_start3A_40] : memref<2x16x160x128xi32, #tpu.memory_space<hbm>> -> memref<1x1x160x128xi32, #tpu.memory_space<hbm>>
      %dma_start3A_42 = tpu.memref_squeeze %dma_start3A_41 : memref<1x1x160x128xi32, #tpu.memory_space<hbm>> -> memref<160x128xi32, #tpu.memory_space<hbm>>
      %dma_start3A_43 = arith.constant 0 : i32
      %dma_start3A_44 = arith.constant 0 : i32
      %dma_start3A_45 = tpu.memref_slice %arg3[%arg0, %arg1, %dma_start3A_43, %dma_start3A_44] : memref<2x16x160x128xi32, #tpu.memory_space<hbm>> -> memref<1x1x160x128xi32, #tpu.memory_space<hbm>>
      %dma_start3A_46 = tpu.memref_squeeze %dma_start3A_45 : memref<1x1x160x128xi32, #tpu.memory_space<hbm>> -> memref<160x128xi32, #tpu.memory_space<hbm>>
      tpu.enqueue_dma source(%dma_start3A_46 : memref<160x128xi32, #tpu.memory_space<hbm>>) target(%arg6 : memref<160x128xi32, #tpu.memory_space<vmem>>) target_semaphore(%run_scoped3A : memref<!tpu.dma_semaphore, #tpu.memory_space<semaphore_mem>>)
      %dma_wait3A = arith.constant 0 : i32
      %dma_wait3A_47 = arith.constant 0 : i32
      %dma_wait3A_48 = tpu.memref_slice %arg3[%arg0, %arg1, %dma_wait3A, %dma_wait3A_47] : memref<2x16x160x128xi32, #tpu.memory_space<hbm>> -> memref<1x1x160x128xi32, #tpu.memory_space<hbm>>
      %dma_wait3A_49 = tpu.memref_squeeze %dma_wait3A_48 : memref<1x1x160x128xi32, #tpu.memory_space<hbm>> -> memref<160x128xi32, #tpu.memory_space<hbm>>
      %dma_wait3A_50 = arith.constant 0 : i32
      %dma_wait3A_51 = arith.constant 0 : i32
      %dma_wait3A_52 = tpu.memref_slice %arg3[%arg0, %arg1, %dma_wait3A_50, %dma_wait3A_51] : memref<2x16x160x128xi32, #tpu.memory_space<hbm>> -> memref<1x1x160x128xi32, #tpu.memory_space<hbm>>
      %dma_wait3A_53 = tpu.memref_squeeze %dma_wait3A_52 : memref<1x1x160x128xi32, #tpu.memory_space<hbm>> -> memref<160x128xi32, #tpu.memory_space<hbm>>
      tpu.wait_dma2 semaphore(%run_scoped3A : memref<!tpu.dma_semaphore, #tpu.memory_space<semaphore_mem>>) src(%dma_wait3A_53 : memref<160x128xi32, #tpu.memory_space<hbm>>) dst(%arg6 : memref<160x128xi32, #tpu.memory_space<vmem>>)
      tpu.yield
    }) : () -> ()
    "tpu.region"() ({
      %run_scoped3A = tpu.sem_alloc : memref<!tpu.dma_semaphore, #tpu.memory_space<semaphore_mem>>
      %dma_start3A_39 = arith.constant 0 : i32
      %dma_start3A_40 = arith.constant 0 : i32
      %dma_start3A_41 = tpu.memref_slice %arg4[%arg1, %dma_start3A_39, %dma_start3A_40] : memref<16x160x128xi32, #tpu.memory_space<hbm>> -> memref<1x160x128xi32, #tpu.memory_space<hbm>>
      %dma_start3A_42 = tpu.memref_squeeze %dma_start3A_41 : memref<1x160x128xi32, #tpu.memory_space<hbm>> -> memref<160x128xi32, #tpu.memory_space<hbm>>
      %dma_start3A_43 = arith.constant 0 : i32
      %dma_start3A_44 = arith.constant 0 : i32
      %dma_start3A_45 = tpu.memref_slice %arg4[%arg1, %dma_start3A_43, %dma_start3A_44] : memref<16x160x128xi32, #tpu.memory_space<hbm>> -> memref<1x160x128xi32, #tpu.memory_space<hbm>>
      %dma_start3A_46 = tpu.memref_squeeze %dma_start3A_45 : memref<1x160x128xi32, #tpu.memory_space<hbm>> -> memref<160x128xi32, #tpu.memory_space<hbm>>
      tpu.enqueue_dma source(%dma_start3A_46 : memref<160x128xi32, #tpu.memory_space<hbm>>) target(%arg7 : memref<160x128xi32, #tpu.memory_space<vmem>>) target_semaphore(%run_scoped3A : memref<!tpu.dma_semaphore, #tpu.memory_space<semaphore_mem>>)
      %dma_wait3A = arith.constant 0 : i32
      %dma_wait3A_47 = arith.constant 0 : i32
      %dma_wait3A_48 = tpu.memref_slice %arg4[%arg1, %dma_wait3A, %dma_wait3A_47] : memref<16x160x128xi32, #tpu.memory_space<hbm>> -> memref<1x160x128xi32, #tpu.memory_space<hbm>>
      %dma_wait3A_49 = tpu.memref_squeeze %dma_wait3A_48 : memref<1x160x128xi32, #tpu.memory_space<hbm>> -> memref<160x128xi32, #tpu.memory_space<hbm>>
      %dma_wait3A_50 = arith.constant 0 : i32
      %dma_wait3A_51 = arith.constant 0 : i32
      %dma_wait3A_52 = tpu.memref_slice %arg4[%arg1, %dma_wait3A_50, %dma_wait3A_51] : memref<16x160x128xi32, #tpu.memory_space<hbm>> -> memref<1x160x128xi32, #tpu.memory_space<hbm>>
      %dma_wait3A_53 = tpu.memref_squeeze %dma_wait3A_52 : memref<1x160x128xi32, #tpu.memory_space<hbm>> -> memref<160x128xi32, #tpu.memory_space<hbm>>
      tpu.wait_dma2 semaphore(%run_scoped3A : memref<!tpu.dma_semaphore, #tpu.memory_space<semaphore_mem>>) src(%dma_wait3A_53 : memref<160x128xi32, #tpu.memory_space<hbm>>) dst(%arg7 : memref<160x128xi32, #tpu.memory_space<vmem>>)
      tpu.yield
    }) : () -> ()
    %barrier3A = arith.constant 0 : index
    tpu.barrier barrier_id(%barrier3A)
    %dma_start3A = arith.constant 0 : i32
    %dma_start3A_5 = arith.constant 0 : i32
    %dma_start3A_6 = tpu.memref_slice %arg6[%dma_start3A, %dma_start3A_5] : memref<160x128xi32, #tpu.memory_space<vmem>> -> memref<1x128xi32, #tpu.memory_space<vmem>>
    %dma_start3A_7 = tpu.memref_squeeze %dma_start3A_6 : memref<1x128xi32, #tpu.memory_space<vmem>> -> memref<128xi32, #tpu.memory_space<vmem>>
    %dma_start3A_8 = arith.constant 0 : i32
    %dma_start3A_9 = arith.constant 0 : i32
    %dma_start3A_10 = tpu.memref_slice %arg2[%dma_start3A_8, %dma_start3A_9] : memref<20480x64xf32, #tpu.memory_space<hbm>> -> memref<20480x64xf32, #tpu.memory_space<hbm>>
    tpu.enqueue_indirect_dma source(%dma_start3A_10 : memref<20480x64xf32, #tpu.memory_space<hbm>>) target(%arg8 : memref<128x64xf32, #tpu.memory_space<vmem>>) offsets(%dma_start3A_7 : memref<128xi32, #tpu.memory_space<vmem>>) semaphore(%arg13 : memref<!tpu.dma_semaphore, #tpu.memory_space<semaphore_mem>>)
    %dma_start3A_11 = arith.constant 1 : i32
    %dma_start3A_12 = arith.constant 0 : i32
    %dma_start3A_13 = tpu.memref_slice %arg6[%dma_start3A_11, %dma_start3A_12] : memref<160x128xi32, #tpu.memory_space<vmem>> -> memref<1x128xi32, #tpu.memory_space<vmem>>
    %dma_start3A_14 = tpu.memref_squeeze %dma_start3A_13 : memref<1x128xi32, #tpu.memory_space<vmem>> -> memref<128xi32, #tpu.memory_space<vmem>>
    %dma_start3A_15 = arith.constant 0 : i32
    %dma_start3A_16 = arith.constant 0 : i32
    %dma_start3A_17 = tpu.memref_slice %arg2[%dma_start3A_15, %dma_start3A_16] : memref<20480x64xf32, #tpu.memory_space<hbm>> -> memref<20480x64xf32, #tpu.memory_space<hbm>>
    tpu.enqueue_indirect_dma source(%dma_start3A_17 : memref<20480x64xf32, #tpu.memory_space<hbm>>) target(%arg9 : memref<128x64xf32, #tpu.memory_space<vmem>>) offsets(%dma_start3A_14 : memref<128xi32, #tpu.memory_space<vmem>>) semaphore(%arg14 : memref<!tpu.dma_semaphore, #tpu.memory_space<semaphore_mem>>)
    %dma_start3A_18 = arith.constant 2 : i32
    %dma_start3A_19 = arith.constant 0 : i32
    %dma_start3A_20 = tpu.memref_slice %arg6[%dma_start3A_18, %dma_start3A_19] : memref<160x128xi32, #tpu.memory_space<vmem>> -> memref<1x128xi32, #tpu.memory_space<vmem>>
    %dma_start3A_21 = tpu.memref_squeeze %dma_start3A_20 : memref<1x128xi32, #tpu.memory_space<vmem>> -> memref<128xi32, #tpu.memory_space<vmem>>
    %dma_start3A_22 = arith.constant 0 : i32
    %dma_start3A_23 = arith.constant 0 : i32
    %dma_start3A_24 = tpu.memref_slice %arg2[%dma_start3A_22, %dma_start3A_23] : memref<20480x64xf32, #tpu.memory_space<hbm>> -> memref<20480x64xf32, #tpu.memory_space<hbm>>
    tpu.enqueue_indirect_dma source(%dma_start3A_24 : memref<20480x64xf32, #tpu.memory_space<hbm>>) target(%arg10 : memref<128x64xf32, #tpu.memory_space<vmem>>) offsets(%dma_start3A_21 : memref<128xi32, #tpu.memory_space<vmem>>) semaphore(%arg15 : memref<!tpu.dma_semaphore, #tpu.memory_space<semaphore_mem>>)
    %dma_start3A_25 = arith.constant 3 : i32
    %dma_start3A_26 = arith.constant 0 : i32
    %dma_start3A_27 = tpu.memref_slice %arg6[%dma_start3A_25, %dma_start3A_26] : memref<160x128xi32, #tpu.memory_space<vmem>> -> memref<1x128xi32, #tpu.memory_space<vmem>>
    %dma_start3A_28 = tpu.memref_squeeze %dma_start3A_27 : memref<1x128xi32, #tpu.memory_space<vmem>> -> memref<128xi32, #tpu.memory_space<vmem>>
    %dma_start3A_29 = arith.constant 0 : i32
    %dma_start3A_30 = arith.constant 0 : i32
    %dma_start3A_31 = tpu.memref_slice %arg2[%dma_start3A_29, %dma_start3A_30] : memref<20480x64xf32, #tpu.memory_space<hbm>> -> memref<20480x64xf32, #tpu.memory_space<hbm>>
    tpu.enqueue_indirect_dma source(%dma_start3A_31 : memref<20480x64xf32, #tpu.memory_space<hbm>>) target(%arg11 : memref<128x64xf32, #tpu.memory_space<vmem>>) offsets(%dma_start3A_28 : memref<128xi32, #tpu.memory_space<vmem>>) semaphore(%arg16 : memref<!tpu.dma_semaphore, #tpu.memory_space<semaphore_mem>>)
    %scan3A = arith.constant 0 : i32
    %scan3A_32 = arith.constant 40 : i32
    %scan3A_33 = arith.addi %scan3A, %scan3A_32 : i32
    %scan3A_34 = arith.constant 1 : i32
    scf.for %scan3A_39 = %scan3A to %scan3A_33 step %scan3A_34  : i32 {
      %mul3A_40 = arith.constant 4 : i32
      %mul3A_41 = arith.muli %scan3A_39, %mul3A_40 : i32
      %add3A_42 = arith.constant 0 : i32
      %add3A_43 = arith.addi %add3A_42, %mul3A_41 : i32
      %add3A_44 = arith.constant 0 : i32
      %add3A_45 = arith.addi %add3A_43, %add3A_44 : i32
      %dma_wait3A = arith.constant 0 : i32
      %dma_wait3A_46 = tpu.memref_slice %arg6[%add3A_45, %dma_wait3A] : memref<160x128xi32, #tpu.memory_space<vmem>> -> memref<1x128xi32, #tpu.memory_space<vmem>>
      %dma_wait3A_47 = tpu.memref_squeeze %dma_wait3A_46 : memref<1x128xi32, #tpu.memory_space<vmem>> -> memref<128xi32, #tpu.memory_space<vmem>>
      %dma_wait3A_48 = arith.constant 0 : i32
      %dma_wait3A_49 = arith.constant 0 : i32
      %dma_wait3A_50 = tpu.memref_slice %arg2[%dma_wait3A_48, %dma_wait3A_49] : memref<20480x64xf32, #tpu.memory_space<hbm>> -> memref<20480x64xf32, #tpu.memory_space<hbm>>
      tpu.wait_indirect_dma semaphore(%arg13 : memref<!tpu.dma_semaphore, #tpu.memory_space<semaphore_mem>>) src(%dma_wait3A_50 : memref<20480x64xf32, #tpu.memory_space<hbm>>) dst(%arg8 : memref<128x64xf32, #tpu.memory_space<vmem>>)
      %add3A_51 = arith.constant 0 : i32
      %add3A_52 = arith.addi %add3A_43, %add3A_51 : i32
      "tpu.region"() ({
        %run_scoped3A = tpu.sem_alloc : memref<!tpu.dma_semaphore, #tpu.memory_space<semaphore_mem>>
        %dma_start3A_116 = arith.constant 0 : i32
        %dma_start3A_117 = tpu.memref_slice %arg7[%add3A_52, %dma_start3A_116] : memref<160x128xi32, #tpu.memory_space<vmem>> -> memref<1x128xi32, #tpu.memory_space<vmem>>
        %dma_start3A_118 = tpu.memref_squeeze %dma_start3A_117 : memref<1x128xi32, #tpu.memory_space<vmem>> -> memref<128xi32, #tpu.memory_space<vmem>>
        %dma_start3A_119 = arith.constant 0 : i32
        %dma_start3A_120 = arith.constant 0 : i32
        %dma_start3A_121 = tpu.memref_slice %arg12[%dma_start3A_119, %dma_start3A_120] : memref<10240x64xf32, #tpu.memory_space<vmem_shared>> -> memref<10240x64xf32, #tpu.memory_space<vmem_shared>>
        tpu.enqueue_indirect_dma source(%arg8 : memref<128x64xf32, #tpu.memory_space<vmem>>) target(%dma_start3A_121 : memref<10240x64xf32, #tpu.memory_space<vmem_shared>>) offsets(%dma_start3A_118 : memref<128xi32, #tpu.memory_space<vmem>>) semaphore(%run_scoped3A : memref<!tpu.dma_semaphore, #tpu.memory_space<semaphore_mem>>) {add = true}
        %dma_wait3A_122 = arith.constant 0 : i32
        %dma_wait3A_123 = tpu.memref_slice %arg7[%add3A_52, %dma_wait3A_122] : memref<160x128xi32, #tpu.memory_space<vmem>> -> memref<1x128xi32, #tpu.memory_space<vmem>>
        %dma_wait3A_124 = tpu.memref_squeeze %dma_wait3A_123 : memref<1x128xi32, #tpu.memory_space<vmem>> -> memref<128xi32, #tpu.memory_space<vmem>>
        %dma_wait3A_125 = arith.constant 0 : i32
        %dma_wait3A_126 = arith.constant 0 : i32
        %dma_wait3A_127 = tpu.memref_slice %arg12[%dma_wait3A_125, %dma_wait3A_126] : memref<10240x64xf32, #tpu.memory_space<vmem_shared>> -> memref<10240x64xf32, #tpu.memory_space<vmem_shared>>
        tpu.wait_indirect_dma semaphore(%run_scoped3A : memref<!tpu.dma_semaphore, #tpu.memory_space<semaphore_mem>>) src(%arg8 : memref<128x64xf32, #tpu.memory_space<vmem>>) dst(%dma_wait3A_127 : memref<10240x64xf32, #tpu.memory_space<vmem_shared>>)
        tpu.yield
      }) : () -> ()
      %add3A_53 = arith.constant 0 : i32
      %add3A_54 = arith.addi %add3A_43, %add3A_53 : i32
      %add3A_55 = arith.constant 4 : i32
      %add3A_56 = arith.addi %add3A_54, %add3A_55 : i32
      %lt3A = arith.constant 160 : i32
      %lt3A_57 = arith.cmpi slt, %add3A_56, %lt3A : i32
      %convert_element_type3A = arith.extui %lt3A_57 : i1 to i32
      %cond3A = arith.constant 0 : i32
      %cond3A_58 = arith.cmpi ne, %convert_element_type3A, %cond3A : i32
      scf.if %cond3A_58 {
        %add3A_116 = arith.constant 0 : i32
        %add3A_117 = arith.addi %add3A_43, %add3A_116 : i32
        %add3A_118 = arith.constant 4 : i32
        %add3A_119 = arith.addi %add3A_117, %add3A_118 : i32
        %dma_start3A_120 = arith.constant 0 : i32
        %dma_start3A_121 = tpu.memref_slice %arg6[%add3A_119, %dma_start3A_120] : memref<160x128xi32, #tpu.memory_space<vmem>> -> memref<1x128xi32, #tpu.memory_space<vmem>>
        %dma_start3A_122 = tpu.memref_squeeze %dma_start3A_121 : memref<1x128xi32, #tpu.memory_space<vmem>> -> memref<128xi32, #tpu.memory_space<vmem>>
        %dma_start3A_123 = arith.constant 0 : i32
        %dma_start3A_124 = arith.constant 0 : i32
        %dma_start3A_125 = tpu.memref_slice %arg2[%dma_start3A_123, %dma_start3A_124] : memref<20480x64xf32, #tpu.memory_space<hbm>> -> memref<20480x64xf32, #tpu.memory_space<hbm>>
        tpu.enqueue_indirect_dma source(%dma_start3A_125 : memref<20480x64xf32, #tpu.memory_space<hbm>>) target(%arg8 : memref<128x64xf32, #tpu.memory_space<vmem>>) offsets(%dma_start3A_122 : memref<128xi32, #tpu.memory_space<vmem>>) semaphore(%arg13 : memref<!tpu.dma_semaphore, #tpu.memory_space<semaphore_mem>>)
      } else {
      }
      %add3A_59 = arith.constant 1 : i32
      %add3A_60 = arith.addi %add3A_43, %add3A_59 : i32
      %dma_wait3A_61 = arith.constant 0 : i32
      %dma_wait3A_62 = tpu.memref_slice %arg6[%add3A_60, %dma_wait3A_61] : memref<160x128xi32, #tpu.memory_space<vmem>> -> memref<1x128xi32, #tpu.memory_space<vmem>>
      %dma_wait3A_63 = tpu.memref_squeeze %dma_wait3A_62 : memref<1x128xi32, #tpu.memory_space<vmem>> -> memref<128xi32, #tpu.memory_space<vmem>>
      %dma_wait3A_64 = arith.constant 0 : i32
      %dma_wait3A_65 = arith.constant 0 : i32
      %dma_wait3A_66 = tpu.memref_slice %arg2[%dma_wait3A_64, %dma_wait3A_65] : memref<20480x64xf32, #tpu.memory_space<hbm>> -> memref<20480x64xf32, #tpu.memory_space<hbm>>
      tpu.wait_indirect_dma semaphore(%arg14 : memref<!tpu.dma_semaphore, #tpu.memory_space<semaphore_mem>>) src(%dma_wait3A_66 : memref<20480x64xf32, #tpu.memory_space<hbm>>) dst(%arg9 : memref<128x64xf32, #tpu.memory_space<vmem>>)
      %add3A_67 = arith.constant 1 : i32
      %add3A_68 = arith.addi %add3A_43, %add3A_67 : i32
      "tpu.region"() ({
        %run_scoped3A = tpu.sem_alloc : memref<!tpu.dma_semaphore, #tpu.memory_space<semaphore_mem>>
        %dma_start3A_116 = arith.constant 0 : i32
        %dma_start3A_117 = tpu.memref_slice %arg7[%add3A_68, %dma_start3A_116] : memref<160x128xi32, #tpu.memory_space<vmem>> -> memref<1x128xi32, #tpu.memory_space<vmem>>
        %dma_start3A_118 = tpu.memref_squeeze %dma_start3A_117 : memref<1x128xi32, #tpu.memory_space<vmem>> -> memref<128xi32, #tpu.memory_space<vmem>>
        %dma_start3A_119 = arith.constant 0 : i32
        %dma_start3A_120 = arith.constant 0 : i32
        %dma_start3A_121 = tpu.memref_slice %arg12[%dma_start3A_119, %dma_start3A_120] : memref<10240x64xf32, #tpu.memory_space<vmem_shared>> -> memref<10240x64xf32, #tpu.memory_space<vmem_shared>>
        tpu.enqueue_indirect_dma source(%arg9 : memref<128x64xf32, #tpu.memory_space<vmem>>) target(%dma_start3A_121 : memref<10240x64xf32, #tpu.memory_space<vmem_shared>>) offsets(%dma_start3A_118 : memref<128xi32, #tpu.memory_space<vmem>>) semaphore(%run_scoped3A : memref<!tpu.dma_semaphore, #tpu.memory_space<semaphore_mem>>) {add = true}
        %dma_wait3A_122 = arith.constant 0 : i32
        %dma_wait3A_123 = tpu.memref_slice %arg7[%add3A_68, %dma_wait3A_122] : memref<160x128xi32, #tpu.memory_space<vmem>> -> memref<1x128xi32, #tpu.memory_space<vmem>>
        %dma_wait3A_124 = tpu.memref_squeeze %dma_wait3A_123 : memref<1x128xi32, #tpu.memory_space<vmem>> -> memref<128xi32, #tpu.memory_space<vmem>>
        %dma_wait3A_125 = arith.constant 0 : i32
        %dma_wait3A_126 = arith.constant 0 : i32
        %dma_wait3A_127 = tpu.memref_slice %arg12[%dma_wait3A_125, %dma_wait3A_126] : memref<10240x64xf32, #tpu.memory_space<vmem_shared>> -> memref<10240x64xf32, #tpu.memory_space<vmem_shared>>
        tpu.wait_indirect_dma semaphore(%run_scoped3A : memref<!tpu.dma_semaphore, #tpu.memory_space<semaphore_mem>>) src(%arg9 : memref<128x64xf32, #tpu.memory_space<vmem>>) dst(%dma_wait3A_127 : memref<10240x64xf32, #tpu.memory_space<vmem_shared>>)
        tpu.yield
      }) : () -> ()
      %add3A_69 = arith.constant 1 : i32
      %add3A_70 = arith.addi %add3A_43, %add3A_69 : i32
      %add3A_71 = arith.constant 4 : i32
      %add3A_72 = arith.addi %add3A_70, %add3A_71 : i32
      %lt3A_73 = arith.constant 160 : i32
      %lt3A_74 = arith.cmpi slt, %add3A_72, %lt3A_73 : i32
      %convert_element_type3A_75 = arith.extui %lt3A_74 : i1 to i32
      %cond3A_76 = arith.constant 0 : i32
      %cond3A_77 = arith.cmpi ne, %convert_element_type3A_75, %cond3A_76 : i32
      scf.if %cond3A_77 {
        %add3A_116 = arith.constant 1 : i32
        %add3A_117 = arith.addi %add3A_43, %add3A_116 : i32
        %add3A_118 = arith.constant 4 : i32
        %add3A_119 = arith.addi %add3A_117, %add3A_118 : i32
        %dma_start3A_120 = arith.constant 0 : i32
        %dma_start3A_121 = tpu.memref_slice %arg6[%add3A_119, %dma_start3A_120] : memref<160x128xi32, #tpu.memory_space<vmem>> -> memref<1x128xi32, #tpu.memory_space<vmem>>
        %dma_start3A_122 = tpu.memref_squeeze %dma_start3A_121 : memref<1x128xi32, #tpu.memory_space<vmem>> -> memref<128xi32, #tpu.memory_space<vmem>>
        %dma_start3A_123 = arith.constant 0 : i32
        %dma_start3A_124 = arith.constant 0 : i32
        %dma_start3A_125 = tpu.memref_slice %arg2[%dma_start3A_123, %dma_start3A_124] : memref<20480x64xf32, #tpu.memory_space<hbm>> -> memref<20480x64xf32, #tpu.memory_space<hbm>>
        tpu.enqueue_indirect_dma source(%dma_start3A_125 : memref<20480x64xf32, #tpu.memory_space<hbm>>) target(%arg9 : memref<128x64xf32, #tpu.memory_space<vmem>>) offsets(%dma_start3A_122 : memref<128xi32, #tpu.memory_space<vmem>>) semaphore(%arg14 : memref<!tpu.dma_semaphore, #tpu.memory_space<semaphore_mem>>)
      } else {
      }
      %add3A_78 = arith.constant 2 : i32
      %add3A_79 = arith.addi %add3A_43, %add3A_78 : i32
      %dma_wait3A_80 = arith.constant 0 : i32
      %dma_wait3A_81 = tpu.memref_slice %arg6[%add3A_79, %dma_wait3A_80] : memref<160x128xi32, #tpu.memory_space<vmem>> -> memref<1x128xi32, #tpu.memory_space<vmem>>
      %dma_wait3A_82 = tpu.memref_squeeze %dma_wait3A_81 : memref<1x128xi32, #tpu.memory_space<vmem>> -> memref<128xi32, #tpu.memory_space<vmem>>
      %dma_wait3A_83 = arith.constant 0 : i32
      %dma_wait3A_84 = arith.constant 0 : i32
      %dma_wait3A_85 = tpu.memref_slice %arg2[%dma_wait3A_83, %dma_wait3A_84] : memref<20480x64xf32, #tpu.memory_space<hbm>> -> memref<20480x64xf32, #tpu.memory_space<hbm>>
      tpu.wait_indirect_dma semaphore(%arg15 : memref<!tpu.dma_semaphore, #tpu.memory_space<semaphore_mem>>) src(%dma_wait3A_85 : memref<20480x64xf32, #tpu.memory_space<hbm>>) dst(%arg10 : memref<128x64xf32, #tpu.memory_space<vmem>>)
      %add3A_86 = arith.constant 2 : i32
      %add3A_87 = arith.addi %add3A_43, %add3A_86 : i32
      "tpu.region"() ({
        %run_scoped3A = tpu.sem_alloc : memref<!tpu.dma_semaphore, #tpu.memory_space<semaphore_mem>>
        %dma_start3A_116 = arith.constant 0 : i32
        %dma_start3A_117 = tpu.memref_slice %arg7[%add3A_87, %dma_start3A_116] : memref<160x128xi32, #tpu.memory_space<vmem>> -> memref<1x128xi32, #tpu.memory_space<vmem>>
        %dma_start3A_118 = tpu.memref_squeeze %dma_start3A_117 : memref<1x128xi32, #tpu.memory_space<vmem>> -> memref<128xi32, #tpu.memory_space<vmem>>
        %dma_start3A_119 = arith.constant 0 : i32
        %dma_start3A_120 = arith.constant 0 : i32
        %dma_start3A_121 = tpu.memref_slice %arg12[%dma_start3A_119, %dma_start3A_120] : memref<10240x64xf32, #tpu.memory_space<vmem_shared>> -> memref<10240x64xf32, #tpu.memory_space<vmem_shared>>
        tpu.enqueue_indirect_dma source(%arg10 : memref<128x64xf32, #tpu.memory_space<vmem>>) target(%dma_start3A_121 : memref<10240x64xf32, #tpu.memory_space<vmem_shared>>) offsets(%dma_start3A_118 : memref<128xi32, #tpu.memory_space<vmem>>) semaphore(%run_scoped3A : memref<!tpu.dma_semaphore, #tpu.memory_space<semaphore_mem>>) {add = true}
        %dma_wait3A_122 = arith.constant 0 : i32
        %dma_wait3A_123 = tpu.memref_slice %arg7[%add3A_87, %dma_wait3A_122] : memref<160x128xi32, #tpu.memory_space<vmem>> -> memref<1x128xi32, #tpu.memory_space<vmem>>
        %dma_wait3A_124 = tpu.memref_squeeze %dma_wait3A_123 : memref<1x128xi32, #tpu.memory_space<vmem>> -> memref<128xi32, #tpu.memory_space<vmem>>
        %dma_wait3A_125 = arith.constant 0 : i32
        %dma_wait3A_126 = arith.constant 0 : i32
        %dma_wait3A_127 = tpu.memref_slice %arg12[%dma_wait3A_125, %dma_wait3A_126] : memref<10240x64xf32, #tpu.memory_space<vmem_shared>> -> memref<10240x64xf32, #tpu.memory_space<vmem_shared>>
        tpu.wait_indirect_dma semaphore(%run_scoped3A : memref<!tpu.dma_semaphore, #tpu.memory_space<semaphore_mem>>) src(%arg10 : memref<128x64xf32, #tpu.memory_space<vmem>>) dst(%dma_wait3A_127 : memref<10240x64xf32, #tpu.memory_space<vmem_shared>>)
        tpu.yield
      }) : () -> ()
      %add3A_88 = arith.constant 2 : i32
      %add3A_89 = arith.addi %add3A_43, %add3A_88 : i32
      %add3A_90 = arith.constant 4 : i32
      %add3A_91 = arith.addi %add3A_89, %add3A_90 : i32
      %lt3A_92 = arith.constant 160 : i32
      %lt3A_93 = arith.cmpi slt, %add3A_91, %lt3A_92 : i32
      %convert_element_type3A_94 = arith.extui %lt3A_93 : i1 to i32
      %cond3A_95 = arith.constant 0 : i32
      %cond3A_96 = arith.cmpi ne, %convert_element_type3A_94, %cond3A_95 : i32
      scf.if %cond3A_96 {
        %add3A_116 = arith.constant 2 : i32
        %add3A_117 = arith.addi %add3A_43, %add3A_116 : i32
        %add3A_118 = arith.constant 4 : i32
        %add3A_119 = arith.addi %add3A_117, %add3A_118 : i32
        %dma_start3A_120 = arith.constant 0 : i32
        %dma_start3A_121 = tpu.memref_slice %arg6[%add3A_119, %dma_start3A_120] : memref<160x128xi32, #tpu.memory_space<vmem>> -> memref<1x128xi32, #tpu.memory_space<vmem>>
        %dma_start3A_122 = tpu.memref_squeeze %dma_start3A_121 : memref<1x128xi32, #tpu.memory_space<vmem>> -> memref<128xi32, #tpu.memory_space<vmem>>
        %dma_start3A_123 = arith.constant 0 : i32
        %dma_start3A_124 = arith.constant 0 : i32
        %dma_start3A_125 = tpu.memref_slice %arg2[%dma_start3A_123, %dma_start3A_124] : memref<20480x64xf32, #tpu.memory_space<hbm>> -> memref<20480x64xf32, #tpu.memory_space<hbm>>
        tpu.enqueue_indirect_dma source(%dma_start3A_125 : memref<20480x64xf32, #tpu.memory_space<hbm>>) target(%arg10 : memref<128x64xf32, #tpu.memory_space<vmem>>) offsets(%dma_start3A_122 : memref<128xi32, #tpu.memory_space<vmem>>) semaphore(%arg15 : memref<!tpu.dma_semaphore, #tpu.memory_space<semaphore_mem>>)
      } else {
      }
      %add3A_97 = arith.constant 3 : i32
      %add3A_98 = arith.addi %add3A_43, %add3A_97 : i32
      %dma_wait3A_99 = arith.constant 0 : i32
      %dma_wait3A_100 = tpu.memref_slice %arg6[%add3A_98, %dma_wait3A_99] : memref<160x128xi32, #tpu.memory_space<vmem>> -> memref<1x128xi32, #tpu.memory_space<vmem>>
      %dma_wait3A_101 = tpu.memref_squeeze %dma_wait3A_100 : memref<1x128xi32, #tpu.memory_space<vmem>> -> memref<128xi32, #tpu.memory_space<vmem>>
      %dma_wait3A_102 = arith.constant 0 : i32
      %dma_wait3A_103 = arith.constant 0 : i32
      %dma_wait3A_104 = tpu.memref_slice %arg2[%dma_wait3A_102, %dma_wait3A_103] : memref<20480x64xf32, #tpu.memory_space<hbm>> -> memref<20480x64xf32, #tpu.memory_space<hbm>>
      tpu.wait_indirect_dma semaphore(%arg16 : memref<!tpu.dma_semaphore, #tpu.memory_space<semaphore_mem>>) src(%dma_wait3A_104 : memref<20480x64xf32, #tpu.memory_space<hbm>>) dst(%arg11 : memref<128x64xf32, #tpu.memory_space<vmem>>)
      %add3A_105 = arith.constant 3 : i32
      %add3A_106 = arith.addi %add3A_43, %add3A_105 : i32
      "tpu.region"() ({
        %run_scoped3A = tpu.sem_alloc : memref<!tpu.dma_semaphore, #tpu.memory_space<semaphore_mem>>
        %dma_start3A_116 = arith.constant 0 : i32
        %dma_start3A_117 = tpu.memref_slice %arg7[%add3A_106, %dma_start3A_116] : memref<160x128xi32, #tpu.memory_space<vmem>> -> memref<1x128xi32, #tpu.memory_space<vmem>>
        %dma_start3A_118 = tpu.memref_squeeze %dma_start3A_117 : memref<1x128xi32, #tpu.memory_space<vmem>> -> memref<128xi32, #tpu.memory_space<vmem>>
        %dma_start3A_119 = arith.constant 0 : i32
        %dma_start3A_120 = arith.constant 0 : i32
        %dma_start3A_121 = tpu.memref_slice %arg12[%dma_start3A_119, %dma_start3A_120] : memref<10240x64xf32, #tpu.memory_space<vmem_shared>> -> memref<10240x64xf32, #tpu.memory_space<vmem_shared>>
        tpu.enqueue_indirect_dma source(%arg11 : memref<128x64xf32, #tpu.memory_space<vmem>>) target(%dma_start3A_121 : memref<10240x64xf32, #tpu.memory_space<vmem_shared>>) offsets(%dma_start3A_118 : memref<128xi32, #tpu.memory_space<vmem>>) semaphore(%run_scoped3A : memref<!tpu.dma_semaphore, #tpu.memory_space<semaphore_mem>>) {add = true}
        %dma_wait3A_122 = arith.constant 0 : i32
        %dma_wait3A_123 = tpu.memref_slice %arg7[%add3A_106, %dma_wait3A_122] : memref<160x128xi32, #tpu.memory_space<vmem>> -> memref<1x128xi32, #tpu.memory_space<vmem>>
        %dma_wait3A_124 = tpu.memref_squeeze %dma_wait3A_123 : memref<1x128xi32, #tpu.memory_space<vmem>> -> memref<128xi32, #tpu.memory_space<vmem>>
        %dma_wait3A_125 = arith.constant 0 : i32
        %dma_wait3A_126 = arith.constant 0 : i32
        %dma_wait3A_127 = tpu.memref_slice %arg12[%dma_wait3A_125, %dma_wait3A_126] : memref<10240x64xf32, #tpu.memory_space<vmem_shared>> -> memref<10240x64xf32, #tpu.memory_space<vmem_shared>>
        tpu.wait_indirect_dma semaphore(%run_scoped3A : memref<!tpu.dma_semaphore, #tpu.memory_space<semaphore_mem>>) src(%arg11 : memref<128x64xf32, #tpu.memory_space<vmem>>) dst(%dma_wait3A_127 : memref<10240x64xf32, #tpu.memory_space<vmem_shared>>)
        tpu.yield
      }) : () -> ()
      %add3A_107 = arith.constant 3 : i32
      %add3A_108 = arith.addi %add3A_43, %add3A_107 : i32
      %add3A_109 = arith.constant 4 : i32
      %add3A_110 = arith.addi %add3A_108, %add3A_109 : i32
      %lt3A_111 = arith.constant 160 : i32
      %lt3A_112 = arith.cmpi slt, %add3A_110, %lt3A_111 : i32
      %convert_element_type3A_113 = arith.extui %lt3A_112 : i1 to i32
      %cond3A_114 = arith.constant 0 : i32
      %cond3A_115 = arith.cmpi ne, %convert_element_type3A_113, %cond3A_114 : i32
      scf.if %cond3A_115 {
        %add3A_116 = arith.constant 3 : i32
        %add3A_117 = arith.addi %add3A_43, %add3A_116 : i32
        %add3A_118 = arith.constant 4 : i32
        %add3A_119 = arith.addi %add3A_117, %add3A_118 : i32
        %dma_start3A_120 = arith.constant 0 : i32
        %dma_start3A_121 = tpu.memref_slice %arg6[%add3A_119, %dma_start3A_120] : memref<160x128xi32, #tpu.memory_space<vmem>> -> memref<1x128xi32, #tpu.memory_space<vmem>>
        %dma_start3A_122 = tpu.memref_squeeze %dma_start3A_121 : memref<1x128xi32, #tpu.memory_space<vmem>> -> memref<128xi32, #tpu.memory_space<vmem>>
        %dma_start3A_123 = arith.constant 0 : i32
        %dma_start3A_124 = arith.constant 0 : i32
        %dma_start3A_125 = tpu.memref_slice %arg2[%dma_start3A_123, %dma_start3A_124] : memref<20480x64xf32, #tpu.memory_space<hbm>> -> memref<20480x64xf32, #tpu.memory_space<hbm>>
        tpu.enqueue_indirect_dma source(%dma_start3A_125 : memref<20480x64xf32, #tpu.memory_space<hbm>>) target(%arg11 : memref<128x64xf32, #tpu.memory_space<vmem>>) offsets(%dma_start3A_122 : memref<128xi32, #tpu.memory_space<vmem>>) semaphore(%arg16 : memref<!tpu.dma_semaphore, #tpu.memory_space<semaphore_mem>>)
      } else {
      }
    }
    %scan3A_35 = arith.constant 40 : i32
    %barrier3A_36 = arith.constant 0 : index
    tpu.barrier barrier_id(%barrier3A_36)
    %mul3A_37 = arith.constant 640 : i32
    %mul3A_38 = arith.muli %arg1, %mul3A_37 : i32
    "tpu.region"() ({
      %run_scoped3A = tpu.sem_alloc : memref<!tpu.dma_semaphore, #tpu.memory_space<semaphore_mem>>
      %dma_start3A_39 = arith.constant 0 : i32
      %dma_start3A_40 = tpu.memref_slice %arg5[%add3A, %dma_start3A_39] : memref<20480x64xf32, #tpu.memory_space<hbm>> -> memref<640x64xf32, #tpu.memory_space<hbm>>
      %dma_start3A_41 = arith.constant 0 : i32
      %dma_start3A_42 = tpu.memref_slice %arg12[%mul3A_38, %dma_start3A_41] : memref<10240x64xf32, #tpu.memory_space<vmem_shared>> -> memref<640x64xf32, #tpu.memory_space<vmem_shared>>
      tpu.enqueue_dma source(%dma_start3A_42 : memref<640x64xf32, #tpu.memory_space<vmem_shared>>) target(%dma_start3A_40 : memref<640x64xf32, #tpu.memory_space<hbm>>) target_semaphore(%run_scoped3A : memref<!tpu.dma_semaphore, #tpu.memory_space<semaphore_mem>>)
      %dma_wait3A = arith.constant 0 : i32
      %dma_wait3A_43 = tpu.memref_slice %arg5[%add3A, %dma_wait3A] : memref<20480x64xf32, #tpu.memory_space<hbm>> -> memref<640x64xf32, #tpu.memory_space<hbm>>
      %dma_wait3A_44 = arith.constant 0 : i32
      %dma_wait3A_45 = tpu.memref_slice %arg12[%mul3A_38, %dma_wait3A_44] : memref<10240x64xf32, #tpu.memory_space<vmem_shared>> -> memref<640x64xf32, #tpu.memory_space<vmem_shared>>
      tpu.wait_dma2 semaphore(%run_scoped3A : memref<!tpu.dma_semaphore, #tpu.memory_space<semaphore_mem>>) src(%dma_wait3A_45 : memref<640x64xf32, #tpu.memory_space<vmem_shared>>) dst(%dma_wait3A_43 : memref<640x64xf32, #tpu.memory_space<hbm>>)
      tpu.yield
    }) : () -> ()
    return
  }
}

#map = affine_map<(d0, d1) -> (0, 0)>
#map1 = affine_map<(d0, d1) -> (0, 0, 0, 0)>
#map2 = affine_map<(d0, d1) -> (0, 0, 0)>
module attributes {stable_mosaic.version = 14 : i64} {
  func.func @_agg_kernel(%arg0: i32, %arg1: i32, %arg2: memref<20480x64xf32, #tpu.memory_space<hbm>>, %arg3: memref<2x16x160x128xi32, #tpu.memory_space<hbm>>, %arg4: memref<16x160x128xi32, #tpu.memory_space<hbm>>, %arg5: memref<20480x64xf32, #tpu.memory_space<hbm>>, %arg6: memref<160x128xi32, #tpu.memory_space<vmem>>, %arg7: memref<160x128xi32, #tpu.memory_space<vmem>>, %arg8: memref<128x64xf32, #tpu.memory_space<vmem>>, %arg9: memref<128x64xf32, #tpu.memory_space<vmem>>, %arg10: memref<128x64xf32, #tpu.memory_space<vmem>>, %arg11: memref<128x64xf32, #tpu.memory_space<vmem>>, %arg12: memref<10240x64xf32, #tpu.memory_space<vmem_shared>>, %arg13: memref<!tpu.dma_semaphore, #tpu.memory_space<semaphore_mem>>, %arg14: memref<!tpu.dma_semaphore, #tpu.memory_space<semaphore_mem>>, %arg15: memref<!tpu.dma_semaphore, #tpu.memory_space<semaphore_mem>>, %arg16: memref<!tpu.dma_semaphore, #tpu.memory_space<semaphore_mem>>) attributes {dimension_semantics = [#tpu.dimension_semantics<core_parallel>, #tpu.dimension_semantics<subcore_parallel>], iteration_bounds = array<i64: 2, 16>, scalar_prefetch = 0 : i64, scratch_operands = 11 : i64, tpu.core_type = #tpu.core_type<sc_vector_subcore>, window_params = [{transform_indices = #map}, {transform_indices = #map1}, {transform_indices = #map2}, {transform_indices = #map}]} {
    %mul3A = arith.constant 10240 : i32
    %mul3A_0 = arith.muli %arg0, %mul3A : i32
    %mul3A_1 = arith.constant 640 : i32
    %mul3A_2 = arith.muli %arg1, %mul3A_1 : i32
    %add3A = arith.addi %mul3A_0, %mul3A_2 : i32
    %mul3A_3 = arith.constant 640 : i32
    %mul3A_4 = arith.muli %arg1, %mul3A_3 : i32
    "tpu.region"() ({
      %run_scoped3A = tpu.sem_alloc : memref<!tpu.dma_semaphore, #tpu.memory_space<semaphore_mem>>
      %dma_start3A_39 = arith.constant 0 : i32
      %dma_start3A_40 = tpu.memref_slice %arg12[%mul3A_4, %dma_start3A_39] : memref<10240x64xf32, #tpu.memory_space<vmem_shared>> -> memref<640x64xf32, #tpu.memory_space<vmem_shared>>
      %dma_start3A_41 = arith.constant 0 : i32
      %dma_start3A_42 = tpu.memref_slice %arg2[%add3A, %dma_start3A_41] : memref<20480x64xf32, #tpu.memory_space<hbm>> -> memref<640x64xf32, #tpu.memory_space<hbm>>
      tpu.enqueue_dma source(%dma_start3A_42 : memref<640x64xf32, #tpu.memory_space<hbm>>) target(%dma_start3A_40 : memref<640x64xf32, #tpu.memory_space<vmem_shared>>) target_semaphore(%run_scoped3A : memref<!tpu.dma_semaphore, #tpu.memory_space<semaphore_mem>>)
      %dma_wait3A = arith.constant 0 : i32
      %dma_wait3A_43 = tpu.memref_slice %arg12[%mul3A_4, %dma_wait3A] : memref<10240x64xf32, #tpu.memory_space<vmem_shared>> -> memref<640x64xf32, #tpu.memory_space<vmem_shared>>
      %dma_wait3A_44 = arith.constant 0 : i32
      %dma_wait3A_45 = tpu.memref_slice %arg2[%add3A, %dma_wait3A_44] : memref<20480x64xf32, #tpu.memory_space<hbm>> -> memref<640x64xf32, #tpu.memory_space<hbm>>
      tpu.wait_dma2 semaphore(%run_scoped3A : memref<!tpu.dma_semaphore, #tpu.memory_space<semaphore_mem>>) src(%dma_wait3A_45 : memref<640x64xf32, #tpu.memory_space<hbm>>) dst(%dma_wait3A_43 : memref<640x64xf32, #tpu.memory_space<vmem_shared>>)
      tpu.yield
    }) : () -> ()
    "tpu.region"() ({
      %run_scoped3A = tpu.sem_alloc : memref<!tpu.dma_semaphore, #tpu.memory_space<semaphore_mem>>
      %dma_start3A_39 = arith.constant 0 : i32
      %dma_start3A_40 = arith.constant 0 : i32
      %dma_start3A_41 = tpu.memref_slice %arg3[%arg0, %arg1, %dma_start3A_39, %dma_start3A_40] : memref<2x16x160x128xi32, #tpu.memory_space<hbm>> -> memref<1x1x160x128xi32, #tpu.memory_space<hbm>>
      %dma_start3A_42 = tpu.memref_squeeze %dma_start3A_41 : memref<1x1x160x128xi32, #tpu.memory_space<hbm>> -> memref<160x128xi32, #tpu.memory_space<hbm>>
      %dma_start3A_43 = arith.constant 0 : i32
      %dma_start3A_44 = arith.constant 0 : i32
      %dma_start3A_45 = tpu.memref_slice %arg3[%arg0, %arg1, %dma_start3A_43, %dma_start3A_44] : memref<2x16x160x128xi32, #tpu.memory_space<hbm>> -> memref<1x1x160x128xi32, #tpu.memory_space<hbm>>
      %dma_start3A_46 = tpu.memref_squeeze %dma_start3A_45 : memref<1x1x160x128xi32, #tpu.memory_space<hbm>> -> memref<160x128xi32, #tpu.memory_space<hbm>>
      tpu.enqueue_dma source(%dma_start3A_46 : memref<160x128xi32, #tpu.memory_space<hbm>>) target(%arg6 : memref<160x128xi32, #tpu.memory_space<vmem>>) target_semaphore(%run_scoped3A : memref<!tpu.dma_semaphore, #tpu.memory_space<semaphore_mem>>)
      %dma_wait3A = arith.constant 0 : i32
      %dma_wait3A_47 = arith.constant 0 : i32
      %dma_wait3A_48 = tpu.memref_slice %arg3[%arg0, %arg1, %dma_wait3A, %dma_wait3A_47] : memref<2x16x160x128xi32, #tpu.memory_space<hbm>> -> memref<1x1x160x128xi32, #tpu.memory_space<hbm>>
      %dma_wait3A_49 = tpu.memref_squeeze %dma_wait3A_48 : memref<1x1x160x128xi32, #tpu.memory_space<hbm>> -> memref<160x128xi32, #tpu.memory_space<hbm>>
      %dma_wait3A_50 = arith.constant 0 : i32
      %dma_wait3A_51 = arith.constant 0 : i32
      %dma_wait3A_52 = tpu.memref_slice %arg3[%arg0, %arg1, %dma_wait3A_50, %dma_wait3A_51] : memref<2x16x160x128xi32, #tpu.memory_space<hbm>> -> memref<1x1x160x128xi32, #tpu.memory_space<hbm>>
      %dma_wait3A_53 = tpu.memref_squeeze %dma_wait3A_52 : memref<1x1x160x128xi32, #tpu.memory_space<hbm>> -> memref<160x128xi32, #tpu.memory_space<hbm>>
      tpu.wait_dma2 semaphore(%run_scoped3A : memref<!tpu.dma_semaphore, #tpu.memory_space<semaphore_mem>>) src(%dma_wait3A_53 : memref<160x128xi32, #tpu.memory_space<hbm>>) dst(%arg6 : memref<160x128xi32, #tpu.memory_space<vmem>>)
      tpu.yield
    }) : () -> ()
    "tpu.region"() ({
      %run_scoped3A = tpu.sem_alloc : memref<!tpu.dma_semaphore, #tpu.memory_space<semaphore_mem>>
      %dma_start3A_39 = arith.constant 0 : i32
      %dma_start3A_40 = arith.constant 0 : i32
      %dma_start3A_41 = tpu.memref_slice %arg4[%arg1, %dma_start3A_39, %dma_start3A_40] : memref<16x160x128xi32, #tpu.memory_space<hbm>> -> memref<1x160x128xi32, #tpu.memory_space<hbm>>
      %dma_start3A_42 = tpu.memref_squeeze %dma_start3A_41 : memref<1x160x128xi32, #tpu.memory_space<hbm>> -> memref<160x128xi32, #tpu.memory_space<hbm>>
      %dma_start3A_43 = arith.constant 0 : i32
      %dma_start3A_44 = arith.constant 0 : i32
      %dma_start3A_45 = tpu.memref_slice %arg4[%arg1, %dma_start3A_43, %dma_start3A_44] : memref<16x160x128xi32, #tpu.memory_space<hbm>> -> memref<1x160x128xi32, #tpu.memory_space<hbm>>
      %dma_start3A_46 = tpu.memref_squeeze %dma_start3A_45 : memref<1x160x128xi32, #tpu.memory_space<hbm>> -> memref<160x128xi32, #tpu.memory_space<hbm>>
      tpu.enqueue_dma source(%dma_start3A_46 : memref<160x128xi32, #tpu.memory_space<hbm>>) target(%arg7 : memref<160x128xi32, #tpu.memory_space<vmem>>) target_semaphore(%run_scoped3A : memref<!tpu.dma_semaphore, #tpu.memory_space<semaphore_mem>>)
      %dma_wait3A = arith.constant 0 : i32
      %dma_wait3A_47 = arith.constant 0 : i32
      %dma_wait3A_48 = tpu.memref_slice %arg4[%arg1, %dma_wait3A, %dma_wait3A_47] : memref<16x160x128xi32, #tpu.memory_space<hbm>> -> memref<1x160x128xi32, #tpu.memory_space<hbm>>
      %dma_wait3A_49 = tpu.memref_squeeze %dma_wait3A_48 : memref<1x160x128xi32, #tpu.memory_space<hbm>> -> memref<160x128xi32, #tpu.memory_space<hbm>>
      %dma_wait3A_50 = arith.constant 0 : i32
      %dma_wait3A_51 = arith.constant 0 : i32
      %dma_wait3A_52 = tpu.memref_slice %arg4[%arg1, %dma_wait3A_50, %dma_wait3A_51] : memref<16x160x128xi32, #tpu.memory_space<hbm>> -> memref<1x160x128xi32, #tpu.memory_space<hbm>>
      %dma_wait3A_53 = tpu.memref_squeeze %dma_wait3A_52 : memref<1x160x128xi32, #tpu.memory_space<hbm>> -> memref<160x128xi32, #tpu.memory_space<hbm>>
      tpu.wait_dma2 semaphore(%run_scoped3A : memref<!tpu.dma_semaphore, #tpu.memory_space<semaphore_mem>>) src(%dma_wait3A_53 : memref<160x128xi32, #tpu.memory_space<hbm>>) dst(%arg7 : memref<160x128xi32, #tpu.memory_space<vmem>>)
      tpu.yield
    }) : () -> ()
    %barrier3A = arith.constant 0 : index
    tpu.barrier barrier_id(%barrier3A)
    %dma_start3A = arith.constant 0 : i32
    %dma_start3A_5 = arith.constant 0 : i32
    %dma_start3A_6 = tpu.memref_slice %arg6[%dma_start3A, %dma_start3A_5] : memref<160x128xi32, #tpu.memory_space<vmem>> -> memref<1x128xi32, #tpu.memory_space<vmem>>
    %dma_start3A_7 = tpu.memref_squeeze %dma_start3A_6 : memref<1x128xi32, #tpu.memory_space<vmem>> -> memref<128xi32, #tpu.memory_space<vmem>>
    %dma_start3A_8 = arith.constant 0 : i32
    %dma_start3A_9 = arith.constant 0 : i32
    %dma_start3A_10 = tpu.memref_slice %arg2[%dma_start3A_8, %dma_start3A_9] : memref<20480x64xf32, #tpu.memory_space<hbm>> -> memref<20480x64xf32, #tpu.memory_space<hbm>>
    tpu.enqueue_indirect_dma source(%dma_start3A_10 : memref<20480x64xf32, #tpu.memory_space<hbm>>) target(%arg8 : memref<128x64xf32, #tpu.memory_space<vmem>>) offsets(%dma_start3A_7 : memref<128xi32, #tpu.memory_space<vmem>>) semaphore(%arg13 : memref<!tpu.dma_semaphore, #tpu.memory_space<semaphore_mem>>)
    %dma_start3A_11 = arith.constant 1 : i32
    %dma_start3A_12 = arith.constant 0 : i32
    %dma_start3A_13 = tpu.memref_slice %arg6[%dma_start3A_11, %dma_start3A_12] : memref<160x128xi32, #tpu.memory_space<vmem>> -> memref<1x128xi32, #tpu.memory_space<vmem>>
    %dma_start3A_14 = tpu.memref_squeeze %dma_start3A_13 : memref<1x128xi32, #tpu.memory_space<vmem>> -> memref<128xi32, #tpu.memory_space<vmem>>
    %dma_start3A_15 = arith.constant 0 : i32
    %dma_start3A_16 = arith.constant 0 : i32
    %dma_start3A_17 = tpu.memref_slice %arg2[%dma_start3A_15, %dma_start3A_16] : memref<20480x64xf32, #tpu.memory_space<hbm>> -> memref<20480x64xf32, #tpu.memory_space<hbm>>
    tpu.enqueue_indirect_dma source(%dma_start3A_17 : memref<20480x64xf32, #tpu.memory_space<hbm>>) target(%arg9 : memref<128x64xf32, #tpu.memory_space<vmem>>) offsets(%dma_start3A_14 : memref<128xi32, #tpu.memory_space<vmem>>) semaphore(%arg14 : memref<!tpu.dma_semaphore, #tpu.memory_space<semaphore_mem>>)
    %dma_start3A_18 = arith.constant 2 : i32
    %dma_start3A_19 = arith.constant 0 : i32
    %dma_start3A_20 = tpu.memref_slice %arg6[%dma_start3A_18, %dma_start3A_19] : memref<160x128xi32, #tpu.memory_space<vmem>> -> memref<1x128xi32, #tpu.memory_space<vmem>>
    %dma_start3A_21 = tpu.memref_squeeze %dma_start3A_20 : memref<1x128xi32, #tpu.memory_space<vmem>> -> memref<128xi32, #tpu.memory_space<vmem>>
    %dma_start3A_22 = arith.constant 0 : i32
    %dma_start3A_23 = arith.constant 0 : i32
    %dma_start3A_24 = tpu.memref_slice %arg2[%dma_start3A_22, %dma_start3A_23] : memref<20480x64xf32, #tpu.memory_space<hbm>> -> memref<20480x64xf32, #tpu.memory_space<hbm>>
    tpu.enqueue_indirect_dma source(%dma_start3A_24 : memref<20480x64xf32, #tpu.memory_space<hbm>>) target(%arg10 : memref<128x64xf32, #tpu.memory_space<vmem>>) offsets(%dma_start3A_21 : memref<128xi32, #tpu.memory_space<vmem>>) semaphore(%arg15 : memref<!tpu.dma_semaphore, #tpu.memory_space<semaphore_mem>>)
    %dma_start3A_25 = arith.constant 3 : i32
    %dma_start3A_26 = arith.constant 0 : i32
    %dma_start3A_27 = tpu.memref_slice %arg6[%dma_start3A_25, %dma_start3A_26] : memref<160x128xi32, #tpu.memory_space<vmem>> -> memref<1x128xi32, #tpu.memory_space<vmem>>
    %dma_start3A_28 = tpu.memref_squeeze %dma_start3A_27 : memref<1x128xi32, #tpu.memory_space<vmem>> -> memref<128xi32, #tpu.memory_space<vmem>>
    %dma_start3A_29 = arith.constant 0 : i32
    %dma_start3A_30 = arith.constant 0 : i32
    %dma_start3A_31 = tpu.memref_slice %arg2[%dma_start3A_29, %dma_start3A_30] : memref<20480x64xf32, #tpu.memory_space<hbm>> -> memref<20480x64xf32, #tpu.memory_space<hbm>>
    tpu.enqueue_indirect_dma source(%dma_start3A_31 : memref<20480x64xf32, #tpu.memory_space<hbm>>) target(%arg11 : memref<128x64xf32, #tpu.memory_space<vmem>>) offsets(%dma_start3A_28 : memref<128xi32, #tpu.memory_space<vmem>>) semaphore(%arg16 : memref<!tpu.dma_semaphore, #tpu.memory_space<semaphore_mem>>)
    %scan3A = arith.constant 0 : i32
    %scan3A_32 = arith.constant 40 : i32
    %scan3A_33 = arith.addi %scan3A, %scan3A_32 : i32
    %scan3A_34 = arith.constant 1 : i32
    scf.for %scan3A_39 = %scan3A to %scan3A_33 step %scan3A_34  : i32 {
      %mul3A_40 = arith.constant 4 : i32
      %mul3A_41 = arith.muli %scan3A_39, %mul3A_40 : i32
      %add3A_42 = arith.constant 0 : i32
      %add3A_43 = arith.addi %add3A_42, %mul3A_41 : i32
      %add3A_44 = arith.constant 0 : i32
      %add3A_45 = arith.addi %add3A_43, %add3A_44 : i32
      %dma_wait3A = arith.constant 0 : i32
      %dma_wait3A_46 = tpu.memref_slice %arg6[%add3A_45, %dma_wait3A] : memref<160x128xi32, #tpu.memory_space<vmem>> -> memref<1x128xi32, #tpu.memory_space<vmem>>
      %dma_wait3A_47 = tpu.memref_squeeze %dma_wait3A_46 : memref<1x128xi32, #tpu.memory_space<vmem>> -> memref<128xi32, #tpu.memory_space<vmem>>
      %dma_wait3A_48 = arith.constant 0 : i32
      %dma_wait3A_49 = arith.constant 0 : i32
      %dma_wait3A_50 = tpu.memref_slice %arg2[%dma_wait3A_48, %dma_wait3A_49] : memref<20480x64xf32, #tpu.memory_space<hbm>> -> memref<20480x64xf32, #tpu.memory_space<hbm>>
      tpu.wait_indirect_dma semaphore(%arg13 : memref<!tpu.dma_semaphore, #tpu.memory_space<semaphore_mem>>) src(%dma_wait3A_50 : memref<20480x64xf32, #tpu.memory_space<hbm>>) dst(%arg8 : memref<128x64xf32, #tpu.memory_space<vmem>>)
      %add3A_51 = arith.constant 0 : i32
      %add3A_52 = arith.addi %add3A_43, %add3A_51 : i32
      "tpu.region"() ({
        %run_scoped3A = tpu.sem_alloc : memref<!tpu.dma_semaphore, #tpu.memory_space<semaphore_mem>>
        %dma_start3A_116 = arith.constant 0 : i32
        %dma_start3A_117 = tpu.memref_slice %arg7[%add3A_52, %dma_start3A_116] : memref<160x128xi32, #tpu.memory_space<vmem>> -> memref<1x128xi32, #tpu.memory_space<vmem>>
        %dma_start3A_118 = tpu.memref_squeeze %dma_start3A_117 : memref<1x128xi32, #tpu.memory_space<vmem>> -> memref<128xi32, #tpu.memory_space<vmem>>
        %dma_start3A_119 = arith.constant 0 : i32
        %dma_start3A_120 = arith.constant 0 : i32
        %dma_start3A_121 = tpu.memref_slice %arg12[%dma_start3A_119, %dma_start3A_120] : memref<10240x64xf32, #tpu.memory_space<vmem_shared>> -> memref<10240x64xf32, #tpu.memory_space<vmem_shared>>
        tpu.enqueue_indirect_dma source(%arg8 : memref<128x64xf32, #tpu.memory_space<vmem>>) target(%dma_start3A_121 : memref<10240x64xf32, #tpu.memory_space<vmem_shared>>) offsets(%dma_start3A_118 : memref<128xi32, #tpu.memory_space<vmem>>) semaphore(%run_scoped3A : memref<!tpu.dma_semaphore, #tpu.memory_space<semaphore_mem>>) {add = true}
        %dma_wait3A_122 = arith.constant 0 : i32
        %dma_wait3A_123 = tpu.memref_slice %arg7[%add3A_52, %dma_wait3A_122] : memref<160x128xi32, #tpu.memory_space<vmem>> -> memref<1x128xi32, #tpu.memory_space<vmem>>
        %dma_wait3A_124 = tpu.memref_squeeze %dma_wait3A_123 : memref<1x128xi32, #tpu.memory_space<vmem>> -> memref<128xi32, #tpu.memory_space<vmem>>
        %dma_wait3A_125 = arith.constant 0 : i32
        %dma_wait3A_126 = arith.constant 0 : i32
        %dma_wait3A_127 = tpu.memref_slice %arg12[%dma_wait3A_125, %dma_wait3A_126] : memref<10240x64xf32, #tpu.memory_space<vmem_shared>> -> memref<10240x64xf32, #tpu.memory_space<vmem_shared>>
        tpu.wait_indirect_dma semaphore(%run_scoped3A : memref<!tpu.dma_semaphore, #tpu.memory_space<semaphore_mem>>) src(%arg8 : memref<128x64xf32, #tpu.memory_space<vmem>>) dst(%dma_wait3A_127 : memref<10240x64xf32, #tpu.memory_space<vmem_shared>>)
        tpu.yield
      }) : () -> ()
      %add3A_53 = arith.constant 0 : i32
      %add3A_54 = arith.addi %add3A_43, %add3A_53 : i32
      %add3A_55 = arith.constant 4 : i32
      %add3A_56 = arith.addi %add3A_54, %add3A_55 : i32
      %lt3A = arith.constant 160 : i32
      %lt3A_57 = arith.cmpi slt, %add3A_56, %lt3A : i32
      %convert_element_type3A = arith.extui %lt3A_57 : i1 to i32
      %cond3A = arith.constant 0 : i32
      %cond3A_58 = arith.cmpi ne, %convert_element_type3A, %cond3A : i32
      scf.if %cond3A_58 {
        %add3A_116 = arith.constant 0 : i32
        %add3A_117 = arith.addi %add3A_43, %add3A_116 : i32
        %add3A_118 = arith.constant 4 : i32
        %add3A_119 = arith.addi %add3A_117, %add3A_118 : i32
        %dma_start3A_120 = arith.constant 0 : i32
        %dma_start3A_121 = tpu.memref_slice %arg6[%add3A_119, %dma_start3A_120] : memref<160x128xi32, #tpu.memory_space<vmem>> -> memref<1x128xi32, #tpu.memory_space<vmem>>
        %dma_start3A_122 = tpu.memref_squeeze %dma_start3A_121 : memref<1x128xi32, #tpu.memory_space<vmem>> -> memref<128xi32, #tpu.memory_space<vmem>>
        %dma_start3A_123 = arith.constant 0 : i32
        %dma_start3A_124 = arith.constant 0 : i32
        %dma_start3A_125 = tpu.memref_slice %arg2[%dma_start3A_123, %dma_start3A_124] : memref<20480x64xf32, #tpu.memory_space<hbm>> -> memref<20480x64xf32, #tpu.memory_space<hbm>>
        tpu.enqueue_indirect_dma source(%dma_start3A_125 : memref<20480x64xf32, #tpu.memory_space<hbm>>) target(%arg8 : memref<128x64xf32, #tpu.memory_space<vmem>>) offsets(%dma_start3A_122 : memref<128xi32, #tpu.memory_space<vmem>>) semaphore(%arg13 : memref<!tpu.dma_semaphore, #tpu.memory_space<semaphore_mem>>)
      } else {
      }
      %add3A_59 = arith.constant 1 : i32
      %add3A_60 = arith.addi %add3A_43, %add3A_59 : i32
      %dma_wait3A_61 = arith.constant 0 : i32
      %dma_wait3A_62 = tpu.memref_slice %arg6[%add3A_60, %dma_wait3A_61] : memref<160x128xi32, #tpu.memory_space<vmem>> -> memref<1x128xi32, #tpu.memory_space<vmem>>
      %dma_wait3A_63 = tpu.memref_squeeze %dma_wait3A_62 : memref<1x128xi32, #tpu.memory_space<vmem>> -> memref<128xi32, #tpu.memory_space<vmem>>
      %dma_wait3A_64 = arith.constant 0 : i32
      %dma_wait3A_65 = arith.constant 0 : i32
      %dma_wait3A_66 = tpu.memref_slice %arg2[%dma_wait3A_64, %dma_wait3A_65] : memref<20480x64xf32, #tpu.memory_space<hbm>> -> memref<20480x64xf32, #tpu.memory_space<hbm>>
      tpu.wait_indirect_dma semaphore(%arg14 : memref<!tpu.dma_semaphore, #tpu.memory_space<semaphore_mem>>) src(%dma_wait3A_66 : memref<20480x64xf32, #tpu.memory_space<hbm>>) dst(%arg9 : memref<128x64xf32, #tpu.memory_space<vmem>>)
      %add3A_67 = arith.constant 1 : i32
      %add3A_68 = arith.addi %add3A_43, %add3A_67 : i32
      "tpu.region"() ({
        %run_scoped3A = tpu.sem_alloc : memref<!tpu.dma_semaphore, #tpu.memory_space<semaphore_mem>>
        %dma_start3A_116 = arith.constant 0 : i32
        %dma_start3A_117 = tpu.memref_slice %arg7[%add3A_68, %dma_start3A_116] : memref<160x128xi32, #tpu.memory_space<vmem>> -> memref<1x128xi32, #tpu.memory_space<vmem>>
        %dma_start3A_118 = tpu.memref_squeeze %dma_start3A_117 : memref<1x128xi32, #tpu.memory_space<vmem>> -> memref<128xi32, #tpu.memory_space<vmem>>
        %dma_start3A_119 = arith.constant 0 : i32
        %dma_start3A_120 = arith.constant 0 : i32
        %dma_start3A_121 = tpu.memref_slice %arg12[%dma_start3A_119, %dma_start3A_120] : memref<10240x64xf32, #tpu.memory_space<vmem_shared>> -> memref<10240x64xf32, #tpu.memory_space<vmem_shared>>
        tpu.enqueue_indirect_dma source(%arg9 : memref<128x64xf32, #tpu.memory_space<vmem>>) target(%dma_start3A_121 : memref<10240x64xf32, #tpu.memory_space<vmem_shared>>) offsets(%dma_start3A_118 : memref<128xi32, #tpu.memory_space<vmem>>) semaphore(%run_scoped3A : memref<!tpu.dma_semaphore, #tpu.memory_space<semaphore_mem>>) {add = true}
        %dma_wait3A_122 = arith.constant 0 : i32
        %dma_wait3A_123 = tpu.memref_slice %arg7[%add3A_68, %dma_wait3A_122] : memref<160x128xi32, #tpu.memory_space<vmem>> -> memref<1x128xi32, #tpu.memory_space<vmem>>
        %dma_wait3A_124 = tpu.memref_squeeze %dma_wait3A_123 : memref<1x128xi32, #tpu.memory_space<vmem>> -> memref<128xi32, #tpu.memory_space<vmem>>
        %dma_wait3A_125 = arith.constant 0 : i32
        %dma_wait3A_126 = arith.constant 0 : i32
        %dma_wait3A_127 = tpu.memref_slice %arg12[%dma_wait3A_125, %dma_wait3A_126] : memref<10240x64xf32, #tpu.memory_space<vmem_shared>> -> memref<10240x64xf32, #tpu.memory_space<vmem_shared>>
        tpu.wait_indirect_dma semaphore(%run_scoped3A : memref<!tpu.dma_semaphore, #tpu.memory_space<semaphore_mem>>) src(%arg9 : memref<128x64xf32, #tpu.memory_space<vmem>>) dst(%dma_wait3A_127 : memref<10240x64xf32, #tpu.memory_space<vmem_shared>>)
        tpu.yield
      }) : () -> ()
      %add3A_69 = arith.constant 1 : i32
      %add3A_70 = arith.addi %add3A_43, %add3A_69 : i32
      %add3A_71 = arith.constant 4 : i32
      %add3A_72 = arith.addi %add3A_70, %add3A_71 : i32
      %lt3A_73 = arith.constant 160 : i32
      %lt3A_74 = arith.cmpi slt, %add3A_72, %lt3A_73 : i32
      %convert_element_type3A_75 = arith.extui %lt3A_74 : i1 to i32
      %cond3A_76 = arith.constant 0 : i32
      %cond3A_77 = arith.cmpi ne, %convert_element_type3A_75, %cond3A_76 : i32
      scf.if %cond3A_77 {
        %add3A_116 = arith.constant 1 : i32
        %add3A_117 = arith.addi %add3A_43, %add3A_116 : i32
        %add3A_118 = arith.constant 4 : i32
        %add3A_119 = arith.addi %add3A_117, %add3A_118 : i32
        %dma_start3A_120 = arith.constant 0 : i32
        %dma_start3A_121 = tpu.memref_slice %arg6[%add3A_119, %dma_start3A_120] : memref<160x128xi32, #tpu.memory_space<vmem>> -> memref<1x128xi32, #tpu.memory_space<vmem>>
        %dma_start3A_122 = tpu.memref_squeeze %dma_start3A_121 : memref<1x128xi32, #tpu.memory_space<vmem>> -> memref<128xi32, #tpu.memory_space<vmem>>
        %dma_start3A_123 = arith.constant 0 : i32
        %dma_start3A_124 = arith.constant 0 : i32
        %dma_start3A_125 = tpu.memref_slice %arg2[%dma_start3A_123, %dma_start3A_124] : memref<20480x64xf32, #tpu.memory_space<hbm>> -> memref<20480x64xf32, #tpu.memory_space<hbm>>
        tpu.enqueue_indirect_dma source(%dma_start3A_125 : memref<20480x64xf32, #tpu.memory_space<hbm>>) target(%arg9 : memref<128x64xf32, #tpu.memory_space<vmem>>) offsets(%dma_start3A_122 : memref<128xi32, #tpu.memory_space<vmem>>) semaphore(%arg14 : memref<!tpu.dma_semaphore, #tpu.memory_space<semaphore_mem>>)
      } else {
      }
      %add3A_78 = arith.constant 2 : i32
      %add3A_79 = arith.addi %add3A_43, %add3A_78 : i32
      %dma_wait3A_80 = arith.constant 0 : i32
      %dma_wait3A_81 = tpu.memref_slice %arg6[%add3A_79, %dma_wait3A_80] : memref<160x128xi32, #tpu.memory_space<vmem>> -> memref<1x128xi32, #tpu.memory_space<vmem>>
      %dma_wait3A_82 = tpu.memref_squeeze %dma_wait3A_81 : memref<1x128xi32, #tpu.memory_space<vmem>> -> memref<128xi32, #tpu.memory_space<vmem>>
      %dma_wait3A_83 = arith.constant 0 : i32
      %dma_wait3A_84 = arith.constant 0 : i32
      %dma_wait3A_85 = tpu.memref_slice %arg2[%dma_wait3A_83, %dma_wait3A_84] : memref<20480x64xf32, #tpu.memory_space<hbm>> -> memref<20480x64xf32, #tpu.memory_space<hbm>>
      tpu.wait_indirect_dma semaphore(%arg15 : memref<!tpu.dma_semaphore, #tpu.memory_space<semaphore_mem>>) src(%dma_wait3A_85 : memref<20480x64xf32, #tpu.memory_space<hbm>>) dst(%arg10 : memref<128x64xf32, #tpu.memory_space<vmem>>)
      %add3A_86 = arith.constant 2 : i32
      %add3A_87 = arith.addi %add3A_43, %add3A_86 : i32
      "tpu.region"() ({
        %run_scoped3A = tpu.sem_alloc : memref<!tpu.dma_semaphore, #tpu.memory_space<semaphore_mem>>
        %dma_start3A_116 = arith.constant 0 : i32
        %dma_start3A_117 = tpu.memref_slice %arg7[%add3A_87, %dma_start3A_116] : memref<160x128xi32, #tpu.memory_space<vmem>> -> memref<1x128xi32, #tpu.memory_space<vmem>>
        %dma_start3A_118 = tpu.memref_squeeze %dma_start3A_117 : memref<1x128xi32, #tpu.memory_space<vmem>> -> memref<128xi32, #tpu.memory_space<vmem>>
        %dma_start3A_119 = arith.constant 0 : i32
        %dma_start3A_120 = arith.constant 0 : i32
        %dma_start3A_121 = tpu.memref_slice %arg12[%dma_start3A_119, %dma_start3A_120] : memref<10240x64xf32, #tpu.memory_space<vmem_shared>> -> memref<10240x64xf32, #tpu.memory_space<vmem_shared>>
        tpu.enqueue_indirect_dma source(%arg10 : memref<128x64xf32, #tpu.memory_space<vmem>>) target(%dma_start3A_121 : memref<10240x64xf32, #tpu.memory_space<vmem_shared>>) offsets(%dma_start3A_118 : memref<128xi32, #tpu.memory_space<vmem>>) semaphore(%run_scoped3A : memref<!tpu.dma_semaphore, #tpu.memory_space<semaphore_mem>>) {add = true}
        %dma_wait3A_122 = arith.constant 0 : i32
        %dma_wait3A_123 = tpu.memref_slice %arg7[%add3A_87, %dma_wait3A_122] : memref<160x128xi32, #tpu.memory_space<vmem>> -> memref<1x128xi32, #tpu.memory_space<vmem>>
        %dma_wait3A_124 = tpu.memref_squeeze %dma_wait3A_123 : memref<1x128xi32, #tpu.memory_space<vmem>> -> memref<128xi32, #tpu.memory_space<vmem>>
        %dma_wait3A_125 = arith.constant 0 : i32
        %dma_wait3A_126 = arith.constant 0 : i32
        %dma_wait3A_127 = tpu.memref_slice %arg12[%dma_wait3A_125, %dma_wait3A_126] : memref<10240x64xf32, #tpu.memory_space<vmem_shared>> -> memref<10240x64xf32, #tpu.memory_space<vmem_shared>>
        tpu.wait_indirect_dma semaphore(%run_scoped3A : memref<!tpu.dma_semaphore, #tpu.memory_space<semaphore_mem>>) src(%arg10 : memref<128x64xf32, #tpu.memory_space<vmem>>) dst(%dma_wait3A_127 : memref<10240x64xf32, #tpu.memory_space<vmem_shared>>)
        tpu.yield
      }) : () -> ()
      %add3A_88 = arith.constant 2 : i32
      %add3A_89 = arith.addi %add3A_43, %add3A_88 : i32
      %add3A_90 = arith.constant 4 : i32
      %add3A_91 = arith.addi %add3A_89, %add3A_90 : i32
      %lt3A_92 = arith.constant 160 : i32
      %lt3A_93 = arith.cmpi slt, %add3A_91, %lt3A_92 : i32
      %convert_element_type3A_94 = arith.extui %lt3A_93 : i1 to i32
      %cond3A_95 = arith.constant 0 : i32
      %cond3A_96 = arith.cmpi ne, %convert_element_type3A_94, %cond3A_95 : i32
      scf.if %cond3A_96 {
        %add3A_116 = arith.constant 2 : i32
        %add3A_117 = arith.addi %add3A_43, %add3A_116 : i32
        %add3A_118 = arith.constant 4 : i32
        %add3A_119 = arith.addi %add3A_117, %add3A_118 : i32
        %dma_start3A_120 = arith.constant 0 : i32
        %dma_start3A_121 = tpu.memref_slice %arg6[%add3A_119, %dma_start3A_120] : memref<160x128xi32, #tpu.memory_space<vmem>> -> memref<1x128xi32, #tpu.memory_space<vmem>>
        %dma_start3A_122 = tpu.memref_squeeze %dma_start3A_121 : memref<1x128xi32, #tpu.memory_space<vmem>> -> memref<128xi32, #tpu.memory_space<vmem>>
        %dma_start3A_123 = arith.constant 0 : i32
        %dma_start3A_124 = arith.constant 0 : i32
        %dma_start3A_125 = tpu.memref_slice %arg2[%dma_start3A_123, %dma_start3A_124] : memref<20480x64xf32, #tpu.memory_space<hbm>> -> memref<20480x64xf32, #tpu.memory_space<hbm>>
        tpu.enqueue_indirect_dma source(%dma_start3A_125 : memref<20480x64xf32, #tpu.memory_space<hbm>>) target(%arg10 : memref<128x64xf32, #tpu.memory_space<vmem>>) offsets(%dma_start3A_122 : memref<128xi32, #tpu.memory_space<vmem>>) semaphore(%arg15 : memref<!tpu.dma_semaphore, #tpu.memory_space<semaphore_mem>>)
      } else {
      }
      %add3A_97 = arith.constant 3 : i32
      %add3A_98 = arith.addi %add3A_43, %add3A_97 : i32
      %dma_wait3A_99 = arith.constant 0 : i32
      %dma_wait3A_100 = tpu.memref_slice %arg6[%add3A_98, %dma_wait3A_99] : memref<160x128xi32, #tpu.memory_space<vmem>> -> memref<1x128xi32, #tpu.memory_space<vmem>>
      %dma_wait3A_101 = tpu.memref_squeeze %dma_wait3A_100 : memref<1x128xi32, #tpu.memory_space<vmem>> -> memref<128xi32, #tpu.memory_space<vmem>>
      %dma_wait3A_102 = arith.constant 0 : i32
      %dma_wait3A_103 = arith.constant 0 : i32
      %dma_wait3A_104 = tpu.memref_slice %arg2[%dma_wait3A_102, %dma_wait3A_103] : memref<20480x64xf32, #tpu.memory_space<hbm>> -> memref<20480x64xf32, #tpu.memory_space<hbm>>
      tpu.wait_indirect_dma semaphore(%arg16 : memref<!tpu.dma_semaphore, #tpu.memory_space<semaphore_mem>>) src(%dma_wait3A_104 : memref<20480x64xf32, #tpu.memory_space<hbm>>) dst(%arg11 : memref<128x64xf32, #tpu.memory_space<vmem>>)
      %add3A_105 = arith.constant 3 : i32
      %add3A_106 = arith.addi %add3A_43, %add3A_105 : i32
      "tpu.region"() ({
        %run_scoped3A = tpu.sem_alloc : memref<!tpu.dma_semaphore, #tpu.memory_space<semaphore_mem>>
        %dma_start3A_116 = arith.constant 0 : i32
        %dma_start3A_117 = tpu.memref_slice %arg7[%add3A_106, %dma_start3A_116] : memref<160x128xi32, #tpu.memory_space<vmem>> -> memref<1x128xi32, #tpu.memory_space<vmem>>
        %dma_start3A_118 = tpu.memref_squeeze %dma_start3A_117 : memref<1x128xi32, #tpu.memory_space<vmem>> -> memref<128xi32, #tpu.memory_space<vmem>>
        %dma_start3A_119 = arith.constant 0 : i32
        %dma_start3A_120 = arith.constant 0 : i32
        %dma_start3A_121 = tpu.memref_slice %arg12[%dma_start3A_119, %dma_start3A_120] : memref<10240x64xf32, #tpu.memory_space<vmem_shared>> -> memref<10240x64xf32, #tpu.memory_space<vmem_shared>>
        tpu.enqueue_indirect_dma source(%arg11 : memref<128x64xf32, #tpu.memory_space<vmem>>) target(%dma_start3A_121 : memref<10240x64xf32, #tpu.memory_space<vmem_shared>>) offsets(%dma_start3A_118 : memref<128xi32, #tpu.memory_space<vmem>>) semaphore(%run_scoped3A : memref<!tpu.dma_semaphore, #tpu.memory_space<semaphore_mem>>) {add = true}
        %dma_wait3A_122 = arith.constant 0 : i32
        %dma_wait3A_123 = tpu.memref_slice %arg7[%add3A_106, %dma_wait3A_122] : memref<160x128xi32, #tpu.memory_space<vmem>> -> memref<1x128xi32, #tpu.memory_space<vmem>>
        %dma_wait3A_124 = tpu.memref_squeeze %dma_wait3A_123 : memref<1x128xi32, #tpu.memory_space<vmem>> -> memref<128xi32, #tpu.memory_space<vmem>>
        %dma_wait3A_125 = arith.constant 0 : i32
        %dma_wait3A_126 = arith.constant 0 : i32
        %dma_wait3A_127 = tpu.memref_slice %arg12[%dma_wait3A_125, %dma_wait3A_126] : memref<10240x64xf32, #tpu.memory_space<vmem_shared>> -> memref<10240x64xf32, #tpu.memory_space<vmem_shared>>
        tpu.wait_indirect_dma semaphore(%run_scoped3A : memref<!tpu.dma_semaphore, #tpu.memory_space<semaphore_mem>>) src(%arg11 : memref<128x64xf32, #tpu.memory_space<vmem>>) dst(%dma_wait3A_127 : memref<10240x64xf32, #tpu.memory_space<vmem_shared>>)
        tpu.yield
      }) : () -> ()
      %add3A_107 = arith.constant 3 : i32
      %add3A_108 = arith.addi %add3A_43, %add3A_107 : i32
      %add3A_109 = arith.constant 4 : i32
      %add3A_110 = arith.addi %add3A_108, %add3A_109 : i32
      %lt3A_111 = arith.constant 160 : i32
      %lt3A_112 = arith.cmpi slt, %add3A_110, %lt3A_111 : i32
      %convert_element_type3A_113 = arith.extui %lt3A_112 : i1 to i32
      %cond3A_114 = arith.constant 0 : i32
      %cond3A_115 = arith.cmpi ne, %convert_element_type3A_113, %cond3A_114 : i32
      scf.if %cond3A_115 {
        %add3A_116 = arith.constant 3 : i32
        %add3A_117 = arith.addi %add3A_43, %add3A_116 : i32
        %add3A_118 = arith.constant 4 : i32
        %add3A_119 = arith.addi %add3A_117, %add3A_118 : i32
        %dma_start3A_120 = arith.constant 0 : i32
        %dma_start3A_121 = tpu.memref_slice %arg6[%add3A_119, %dma_start3A_120] : memref<160x128xi32, #tpu.memory_space<vmem>> -> memref<1x128xi32, #tpu.memory_space<vmem>>
        %dma_start3A_122 = tpu.memref_squeeze %dma_start3A_121 : memref<1x128xi32, #tpu.memory_space<vmem>> -> memref<128xi32, #tpu.memory_space<vmem>>
        %dma_start3A_123 = arith.constant 0 : i32
        %dma_start3A_124 = arith.constant 0 : i32
        %dma_start3A_125 = tpu.memref_slice %arg2[%dma_start3A_123, %dma_start3A_124] : memref<20480x64xf32, #tpu.memory_space<hbm>> -> memref<20480x64xf32, #tpu.memory_space<hbm>>
        tpu.enqueue_indirect_dma source(%dma_start3A_125 : memref<20480x64xf32, #tpu.memory_space<hbm>>) target(%arg11 : memref<128x64xf32, #tpu.memory_space<vmem>>) offsets(%dma_start3A_122 : memref<128xi32, #tpu.memory_space<vmem>>) semaphore(%arg16 : memref<!tpu.dma_semaphore, #tpu.memory_space<semaphore_mem>>)
      } else {
      }
    }
    %scan3A_35 = arith.constant 40 : i32
    %barrier3A_36 = arith.constant 0 : index
    tpu.barrier barrier_id(%barrier3A_36)
    %mul3A_37 = arith.constant 640 : i32
    %mul3A_38 = arith.muli %arg1, %mul3A_37 : i32
    "tpu.region"() ({
      %run_scoped3A = tpu.sem_alloc : memref<!tpu.dma_semaphore, #tpu.memory_space<semaphore_mem>>
      %dma_start3A_39 = arith.constant 0 : i32
      %dma_start3A_40 = tpu.memref_slice %arg5[%add3A, %dma_start3A_39] : memref<20480x64xf32, #tpu.memory_space<hbm>> -> memref<640x64xf32, #tpu.memory_space<hbm>>
      %dma_start3A_41 = arith.constant 0 : i32
      %dma_start3A_42 = tpu.memref_slice %arg12[%mul3A_38, %dma_start3A_41] : memref<10240x64xf32, #tpu.memory_space<vmem_shared>> -> memref<640x64xf32, #tpu.memory_space<vmem_shared>>
      tpu.enqueue_dma source(%dma_start3A_42 : memref<640x64xf32, #tpu.memory_space<vmem_shared>>) target(%dma_start3A_40 : memref<640x64xf32, #tpu.memory_space<hbm>>) target_semaphore(%run_scoped3A : memref<!tpu.dma_semaphore, #tpu.memory_space<semaphore_mem>>)
      %dma_wait3A = arith.constant 0 : i32
      %dma_wait3A_43 = tpu.memref_slice %arg5[%add3A, %dma_wait3A] : memref<20480x64xf32, #tpu.memory_space<hbm>> -> memref<640x64xf32, #tpu.memory_space<hbm>>
      %dma_wait3A_44 = arith.constant 0 : i32
      %dma_wait3A_45 = tpu.memref_slice %arg12[%mul3A_38, %dma_wait3A_44] : memref<10240x64xf32, #tpu.memory_space<vmem_shared>> -> memref<640x64xf32, #tpu.memory_space<vmem_shared>>
      tpu.wait_dma2 semaphore(%run_scoped3A : memref<!tpu.dma_semaphore, #tpu.memory_space<semaphore_mem>>) src(%dma_wait3A_45 : memref<640x64xf32, #tpu.memory_space<vmem_shared>>) dst(%dma_wait3A_43 : memref<640x64xf32, #tpu.memory_space<hbm>>)
      tpu.yield
    }) : () -> ()
    return
  }
}

module attributes {stable_mosaic.version = 14 : i64} {
  func.func @_mm1a_body(%arg0: i32, %arg1: memref<1024x128xf32, #tpu.memory_space<vmem>>, %arg2: memref<128x128xf32, #tpu.memory_space<vmem>>, %arg3: memref<1024x128xf32, #tpu.memory_space<vmem>>) attributes {dimension_semantics = [#tpu.dimension_semantics<arbitrary>], iteration_bounds = array<i64: 10>, scalar_prefetch = 0 : i64, scratch_operands = 0 : i64, tpu.core_type = #tpu.core_type<tc>, window_params = [{transform_indices = @transform_0, window_bounds = array<i64: 1024, 128>}, {pipeline_mode = #tpu.pipeline_mode<synchronous>, transform_indices = @transform_1, window_bounds = array<i64: 128, 128>}, {transform_indices = @transform_2, window_bounds = array<i64: 1024, 128>}]} {
    %get3A = arith.constant 0 : index
    %get3A_0 = arith.constant 0 : index
    %get3A_1 = vector.load %arg1[%get3A, %get3A_0] : memref<1024x128xf32, #tpu.memory_space<vmem>>, vector<1024x128xf32>
    %get3A_2 = arith.constant 0 : index
    %get3A_3 = arith.constant 0 : index
    %get3A_4 = vector.load %arg2[%get3A_2, %get3A_3] : memref<128x128xf32, #tpu.memory_space<vmem>>, vector<128x128xf32>
    %dot_general3A = arith.constant dense<0.000000e+00> : vector<1024x128xf32>
    %dot_general3A_5 = tpu.matmul %get3A_1, %get3A_4, %dot_general3A {dimension_numbers = #tpu.dot_dimension_numbers<[1], [0], [0], [1], [0, 0, 1, 1], [], []>, transpose_lhs_hint = false} : vector<1024x128xf32>, vector<128x128xf32>, vector<1024x128xf32> -> vector<1024x128xf32>
    %swap3A = arith.constant 0 : index
    %swap3A_6 = arith.constant 0 : index
    %swap3A_7 = vector.load %arg3[%swap3A, %swap3A_6] : memref<1024x128xf32, #tpu.memory_space<vmem>>, vector<1024x128xf32>
    tpu.vector_store %arg3[%swap3A, %swap3A_6], %dot_general3A_5 {strides = array<i32>} : memref<1024x128xf32, #tpu.memory_space<vmem>>, vector<1024x128xf32>,
    return
  }
  func.func @transform_0(%arg0: i32) -> (i32, i32) {
    %c0_i32 = arith.constant 0 : i32
    %c0_i32_0 = arith.constant 0 : i32
    return %arg0, %c0_i32 : i32, i32
  }
  func.func @transform_1(%arg0: i32) -> (i32, i32) {
    %c0_i32 = arith.constant 0 : i32
    %c0_i32_0 = arith.constant 0 : i32
    %c0_i32_1 = arith.constant 0 : i32
    return %c0_i32, %c0_i32_0 : i32, i32
  }
  func.func @transform_2(%arg0: i32) -> (i32, i32) {
    %c0_i32 = arith.constant 0 : i32
    %c0_i32_0 = arith.constant 0 : i32
    return %arg0, %c0_i32 : i32, i32
  }
}

module attributes {stable_mosaic.version = 14 : i64} {
  func.func @_mm1b_body(%arg0: i32, %arg1: memref<2x1024x16xf32, #tpu.memory_space<vmem>>, %arg2: memref<1024x128xf32, #tpu.memory_space<vmem>>, %arg3: memref<2x1024x64xf32, #tpu.memory_space<vmem>>) attributes {dimension_semantics = [#tpu.dimension_semantics<arbitrary>], iteration_bounds = array<i64: 10>, scalar_prefetch = 0 : i64, scratch_operands = 0 : i64, tpu.core_type = #tpu.core_type<tc>, window_params = [{transform_indices = @transform_0, window_bounds = array<i64: 2, 1024, 16>}, {transform_indices = @transform_1, window_bounds = array<i64: 1024, 128>}, {transform_indices = @transform_2, window_bounds = array<i64: 2, 1024, 64>}]} {
    %get3A = arith.constant 0 : index
    %get3A_0 = arith.constant 0 : index
    %get3A_1 = arith.constant 0 : index
    %get3A_2 = vector.load %arg1[%get3A, %get3A_0, %get3A_1] : memref<2x1024x16xf32, #tpu.memory_space<vmem>>, vector<1x1024x1xf32>
    %get3A_3 = vector.shape_cast %get3A_2 : vector<1x1024x1xf32> to vector<1024xf32>
    %get3A_4 = arith.constant 1 : index
    %get3A_5 = arith.constant 0 : index
    %get3A_6 = arith.constant 0 : index
    %get3A_7 = vector.load %arg1[%get3A_4, %get3A_5, %get3A_6] : memref<2x1024x16xf32, #tpu.memory_space<vmem>>, vector<1x1024x1xf32>
    %get3A_8 = vector.shape_cast %get3A_7 : vector<1x1024x1xf32> to vector<1024xf32>
    %add3A = arith.addf %get3A_3, %get3A_8 : vector<1024xf32>
    %add3A_9 = arith.constant 1.000000e+00 : f32
    %add3A_10 = vector.broadcast %add3A_9 : f32 to vector<1024xf32>
    %add3A_11 = arith.addf %add3A, %add3A_10 : vector<1024xf32>
    %rsqrt3A = math.rsqrt %add3A_11 : vector<1024xf32>
    %get3A_12 = arith.constant 0 : index
    %get3A_13 = arith.constant 0 : index
    %get3A_14 = vector.load %arg2[%get3A_12, %get3A_13] : memref<1024x128xf32, #tpu.memory_space<vmem>>, vector<1024x128xf32>
    %broadcast_in_dim3A = vector.shape_cast %rsqrt3A : vector<1024xf32> to vector<1024x1xf32>
    %mul3A = vector.broadcast %broadcast_in_dim3A : vector<1024x1xf32> to vector<1024x128xf32>
    %mul3A_15 = arith.mulf %get3A_14, %mul3A : vector<1024x128xf32>
    %slice3A = vector.extract_strided_slice %mul3A_15 {offsets = [0, 0], sizes = [1024, 64], strides = [1, 1]} : vector<1024x128xf32> to vector<1024x64xf32>
    %swap3A = arith.constant 0 : index
    %swap3A_16 = arith.constant 0 : index
    %swap3A_17 = arith.constant 0 : index
    %swap3A_18 = vector.load %arg3[%swap3A, %swap3A_16, %swap3A_17] : memref<2x1024x64xf32, #tpu.memory_space<vmem>>, vector<1x1024x64xf32>
    %swap3A_19 = vector.shape_cast %swap3A_18 : vector<1x1024x64xf32> to vector<1024x64xf32>
    %swap3A_20 = vector.shape_cast %slice3A : vector<1024x64xf32> to vector<1x1024x64xf32>
    tpu.vector_store %arg3[%swap3A, %swap3A_16, %swap3A_17], %swap3A_20 {strides = array<i32>} : memref<2x1024x64xf32, #tpu.memory_space<vmem>>, vector<1x1024x64xf32>,
    %slice3A_21 = vector.extract_strided_slice %mul3A_15 {offsets = [0, 64], sizes = [1024, 64], strides = [1, 1]} : vector<1024x128xf32> to vector<1024x64xf32>
    %swap3A_22 = arith.constant 1 : index
    %swap3A_23 = arith.constant 0 : index
    %swap3A_24 = arith.constant 0 : index
    %swap3A_25 = vector.load %arg3[%swap3A_22, %swap3A_23, %swap3A_24] : memref<2x1024x64xf32, #tpu.memory_space<vmem>>, vector<1x1024x64xf32>
    %swap3A_26 = vector.shape_cast %swap3A_25 : vector<1x1024x64xf32> to vector<1024x64xf32>
    %swap3A_27 = vector.shape_cast %slice3A_21 : vector<1024x64xf32> to vector<1x1024x64xf32>
    tpu.vector_store %arg3[%swap3A_22, %swap3A_23, %swap3A_24], %swap3A_27 {strides = array<i32>} : memref<2x1024x64xf32, #tpu.memory_space<vmem>>, vector<1x1024x64xf32>,
    return
  }
  func.func @transform_0(%arg0: i32) -> (i32, i32, i32) {
    %c0_i32 = arith.constant 0 : i32
    %c0_i32_0 = arith.constant 0 : i32
    %c0_i32_1 = arith.constant 0 : i32
    return %c0_i32, %arg0, %c0_i32_0 : i32, i32, i32
  }
  func.func @transform_1(%arg0: i32) -> (i32, i32) {
    %c0_i32 = arith.constant 0 : i32
    %c0_i32_0 = arith.constant 0 : i32
    return %arg0, %c0_i32 : i32, i32
  }
  func.func @transform_2(%arg0: i32) -> (i32, i32, i32) {
    %c0_i32 = arith.constant 0 : i32
    %c0_i32_0 = arith.constant 0 : i32
    %c0_i32_1 = arith.constant 0 : i32
    return %c0_i32, %arg0, %c0_i32_0 : i32, i32, i32
  }
}

module attributes {stable_mosaic.version = 14 : i64} {
  func.func @_mm2_body(%arg0: i32, %arg1: memref<2x1024x16xf32, #tpu.memory_space<vmem>>, %arg2: memref<2x1024x64xf32, #tpu.memory_space<vmem>>, %arg3: memref<1x128xf32, #tpu.memory_space<vmem>>, %arg4: memref<128x128xf32, #tpu.memory_space<vmem>>, %arg5: memref<2x1024x64xf32, #tpu.memory_space<vmem>>) attributes {dimension_semantics = [#tpu.dimension_semantics<arbitrary>], iteration_bounds = array<i64: 10>, scalar_prefetch = 0 : i64, scratch_operands = 0 : i64, tpu.core_type = #tpu.core_type<tc>, window_params = [{transform_indices = @transform_0, window_bounds = array<i64: 2, 1024, 16>}, {transform_indices = @transform_1, window_bounds = array<i64: 2, 1024, 64>}, {pipeline_mode = #tpu.pipeline_mode<synchronous>, transform_indices = @transform_2, window_bounds = array<i64: 1, 128>}, {pipeline_mode = #tpu.pipeline_mode<synchronous>, transform_indices = @transform_3, window_bounds = array<i64: 128, 128>}, {transform_indices = @transform_4, window_bounds = array<i64: 2, 1024, 64>}]} {
    %get3A = arith.constant 0 : index
    %get3A_0 = arith.constant 0 : index
    %get3A_1 = arith.constant 0 : index
    %get3A_2 = vector.load %arg1[%get3A, %get3A_0, %get3A_1] : memref<2x1024x16xf32, #tpu.memory_space<vmem>>, vector<1x1024x1xf32>
    %get3A_3 = vector.shape_cast %get3A_2 : vector<1x1024x1xf32> to vector<1024xf32>
    %get3A_4 = arith.constant 1 : index
    %get3A_5 = arith.constant 0 : index
    %get3A_6 = arith.constant 0 : index
    %get3A_7 = vector.load %arg1[%get3A_4, %get3A_5, %get3A_6] : memref<2x1024x16xf32, #tpu.memory_space<vmem>>, vector<1x1024x1xf32>
    %get3A_8 = vector.shape_cast %get3A_7 : vector<1x1024x1xf32> to vector<1024xf32>
    %add3A = arith.addf %get3A_3, %get3A_8 : vector<1024xf32>
    %add3A_9 = arith.constant 1.000000e+00 : f32
    %add3A_10 = vector.broadcast %add3A_9 : f32 to vector<1024xf32>
    %add3A_11 = arith.addf %add3A, %add3A_10 : vector<1024xf32>
    %rsqrt3A = math.rsqrt %add3A_11 : vector<1024xf32>
    %get3A_12 = arith.constant 0 : index
    %get3A_13 = arith.constant 0 : index
    %get3A_14 = arith.constant 0 : index
    %get3A_15 = vector.load %arg2[%get3A_12, %get3A_13, %get3A_14] : memref<2x1024x64xf32, #tpu.memory_space<vmem>>, vector<1x1024x64xf32>
    %get3A_16 = vector.shape_cast %get3A_15 : vector<1x1024x64xf32> to vector<1024x64xf32>
    %get3A_17 = arith.constant 1 : index
    %get3A_18 = arith.constant 0 : index
    %get3A_19 = arith.constant 0 : index
    %get3A_20 = vector.load %arg2[%get3A_17, %get3A_18, %get3A_19] : memref<2x1024x64xf32, #tpu.memory_space<vmem>>, vector<1x1024x64xf32>
    %get3A_21 = vector.shape_cast %get3A_20 : vector<1x1024x64xf32> to vector<1024x64xf32>
    %concatenate3A = tpu.concatenate %get3A_16, %get3A_21 in 1 : vector<1024x64xf32>, vector<1024x64xf32> -> vector<1024x128xf32>
    %broadcast_in_dim3A = vector.shape_cast %rsqrt3A : vector<1024xf32> to vector<1024x1xf32>
    %mul3A = vector.broadcast %broadcast_in_dim3A : vector<1024x1xf32> to vector<1024x128xf32>
    %mul3A_22 = arith.mulf %concatenate3A, %mul3A : vector<1024x128xf32>
    %get3A_23 = arith.constant 0 : index
    %get3A_24 = arith.constant 0 : index
    %get3A_25 = vector.load %arg3[%get3A_23, %get3A_24] : memref<1x128xf32, #tpu.memory_space<vmem>>, vector<1x128xf32>
    %add3A_26 = vector.broadcast %get3A_25 : vector<1x128xf32> to vector<1024x128xf32>
    %add3A_27 = arith.addf %mul3A_22, %add3A_26 : vector<1024x128xf32>
    %max3A = arith.constant 0.000000e+00 : f32
    %max3A_28 = vector.broadcast %max3A : f32 to vector<1024x128xf32>
    %max3A_29 = arith.maximumf %add3A_27, %max3A_28 : vector<1024x128xf32>
    %get3A_30 = arith.constant 0 : index
    %get3A_31 = arith.constant 0 : index
    %get3A_32 = vector.load %arg4[%get3A_30, %get3A_31] : memref<128x128xf32, #tpu.memory_space<vmem>>, vector<128x128xf32>
    %dot_general3A = arith.constant dense<0.000000e+00> : vector<1024x128xf32>
    %dot_general3A_33 = tpu.matmul %max3A_29, %get3A_32, %dot_general3A {dimension_numbers = #tpu.dot_dimension_numbers<[1], [0], [0], [1], [0, 0, 1, 1], [], []>, transpose_lhs_hint = false} : vector<1024x128xf32>, vector<128x128xf32>, vector<1024x128xf32> -> vector<1024x128xf32>
    %broadcast_in_dim3A_34 = vector.shape_cast %rsqrt3A : vector<1024xf32> to vector<1024x1xf32>
    %mul3A_35 = vector.broadcast %broadcast_in_dim3A_34 : vector<1024x1xf32> to vector<1024x128xf32>
    %mul3A_36 = arith.mulf %dot_general3A_33, %mul3A_35 : vector<1024x128xf32>
    %slice3A = vector.extract_strided_slice %mul3A_36 {offsets = [0, 0], sizes = [1024, 64], strides = [1, 1]} : vector<1024x128xf32> to vector<1024x64xf32>
    %swap3A = arith.constant 0 : index
    %swap3A_37 = arith.constant 0 : index
    %swap3A_38 = arith.constant 0 : index
    %swap3A_39 = vector.load %arg5[%swap3A, %swap3A_37, %swap3A_38] : memref<2x1024x64xf32, #tpu.memory_space<vmem>>, vector<1x1024x64xf32>
    %swap3A_40 = vector.shape_cast %swap3A_39 : vector<1x1024x64xf32> to vector<1024x64xf32>
    %swap3A_41 = vector.shape_cast %slice3A : vector<1024x64xf32> to vector<1x1024x64xf32>
    tpu.vector_store %arg5[%swap3A, %swap3A_37, %swap3A_38], %swap3A_41 {strides = array<i32>} : memref<2x1024x64xf32, #tpu.memory_space<vmem>>, vector<1x1024x64xf32>,
    %slice3A_42 = vector.extract_strided_slice %mul3A_36 {offsets = [0, 64], sizes = [1024, 64], strides = [1, 1]} : vector<1024x128xf32> to vector<1024x64xf32>
    %swap3A_43 = arith.constant 1 : index
    %swap3A_44 = arith.constant 0 : index
    %swap3A_45 = arith.constant 0 : index
    %swap3A_46 = vector.load %arg5[%swap3A_43, %swap3A_44, %swap3A_45] : memref<2x1024x64xf32, #tpu.memory_space<vmem>>, vector<1x1024x64xf32>
    %swap3A_47 = vector.shape_cast %swap3A_46 : vector<1x1024x64xf32> to vector<1024x64xf32>
    %swap3A_48 = vector.shape_cast %slice3A_42 : vector<1024x64xf32> to vector<1x1024x64xf32>
    tpu.vector_store %arg5[%swap3A_43, %swap3A_44, %swap3A_45], %swap3A_48 {strides = array<i32>} : memref<2x1024x64xf32, #tpu.memory_space<vmem>>, vector<1x1024x64xf32>,
    return
  }
  func.func @transform_0(%arg0: i32) -> (i32, i32, i32) {
    %c0_i32 = arith.constant 0 : i32
    %c0_i32_0 = arith.constant 0 : i32
    %c0_i32_1 = arith.constant 0 : i32
    return %c0_i32, %arg0, %c0_i32_0 : i32, i32, i32
  }
  func.func @transform_1(%arg0: i32) -> (i32, i32, i32) {
    %c0_i32 = arith.constant 0 : i32
    %c0_i32_0 = arith.constant 0 : i32
    %c0_i32_1 = arith.constant 0 : i32
    return %c0_i32, %arg0, %c0_i32_0 : i32, i32, i32
  }
  func.func @transform_2(%arg0: i32) -> (i32, i32) {
    %c0_i32 = arith.constant 0 : i32
    %c0_i32_0 = arith.constant 0 : i32
    %c0_i32_1 = arith.constant 0 : i32
    return %c0_i32, %c0_i32_0 : i32, i32
  }
  func.func @transform_3(%arg0: i32) -> (i32, i32) {
    %c0_i32 = arith.constant 0 : i32
    %c0_i32_0 = arith.constant 0 : i32
    %c0_i32_1 = arith.constant 0 : i32
    return %c0_i32, %c0_i32_0 : i32, i32
  }
  func.func @transform_4(%arg0: i32) -> (i32, i32, i32) {
    %c0_i32 = arith.constant 0 : i32
    %c0_i32_0 = arith.constant 0 : i32
    %c0_i32_1 = arith.constant 0 : i32
    return %c0_i32, %arg0, %c0_i32_0 : i32, i32, i32
  }
}

module attributes {stable_mosaic.version = 14 : i64} {
  func.func @_fin_body(%arg0: i32, %arg1: memref<2x1024x16xf32, #tpu.memory_space<vmem>>, %arg2: memref<2x1024x64xf32, #tpu.memory_space<vmem>>, %arg3: memref<1x128xf32, #tpu.memory_space<vmem>>, %arg4: memref<1024x128xf32, #tpu.memory_space<vmem>>) attributes {dimension_semantics = [#tpu.dimension_semantics<arbitrary>], iteration_bounds = array<i64: 10>, scalar_prefetch = 0 : i64, scratch_operands = 0 : i64, tpu.core_type = #tpu.core_type<tc>, window_params = [{transform_indices = @transform_0, window_bounds = array<i64: 2, 1024, 16>}, {transform_indices = @transform_1, window_bounds = array<i64: 2, 1024, 64>}, {pipeline_mode = #tpu.pipeline_mode<synchronous>, transform_indices = @transform_2, window_bounds = array<i64: 1, 128>}, {transform_indices = @transform_3, window_bounds = array<i64: 1024, 128>}]} {
    %get3A = arith.constant 0 : index
    %get3A_0 = arith.constant 0 : index
    %get3A_1 = arith.constant 0 : index
    %get3A_2 = vector.load %arg1[%get3A, %get3A_0, %get3A_1] : memref<2x1024x16xf32, #tpu.memory_space<vmem>>, vector<1x1024x1xf32>
    %get3A_3 = vector.shape_cast %get3A_2 : vector<1x1024x1xf32> to vector<1024xf32>
    %get3A_4 = arith.constant 1 : index
    %get3A_5 = arith.constant 0 : index
    %get3A_6 = arith.constant 0 : index
    %get3A_7 = vector.load %arg1[%get3A_4, %get3A_5, %get3A_6] : memref<2x1024x16xf32, #tpu.memory_space<vmem>>, vector<1x1024x1xf32>
    %get3A_8 = vector.shape_cast %get3A_7 : vector<1x1024x1xf32> to vector<1024xf32>
    %add3A = arith.addf %get3A_3, %get3A_8 : vector<1024xf32>
    %add3A_9 = arith.constant 1.000000e+00 : f32
    %add3A_10 = vector.broadcast %add3A_9 : f32 to vector<1024xf32>
    %add3A_11 = arith.addf %add3A, %add3A_10 : vector<1024xf32>
    %rsqrt3A = math.rsqrt %add3A_11 : vector<1024xf32>
    %get3A_12 = arith.constant 0 : index
    %get3A_13 = arith.constant 0 : index
    %get3A_14 = arith.constant 0 : index
    %get3A_15 = vector.load %arg2[%get3A_12, %get3A_13, %get3A_14] : memref<2x1024x64xf32, #tpu.memory_space<vmem>>, vector<1x1024x64xf32>
    %get3A_16 = vector.shape_cast %get3A_15 : vector<1x1024x64xf32> to vector<1024x64xf32>
    %get3A_17 = arith.constant 1 : index
    %get3A_18 = arith.constant 0 : index
    %get3A_19 = arith.constant 0 : index
    %get3A_20 = vector.load %arg2[%get3A_17, %get3A_18, %get3A_19] : memref<2x1024x64xf32, #tpu.memory_space<vmem>>, vector<1x1024x64xf32>
    %get3A_21 = vector.shape_cast %get3A_20 : vector<1x1024x64xf32> to vector<1024x64xf32>
    %concatenate3A = tpu.concatenate %get3A_16, %get3A_21 in 1 : vector<1024x64xf32>, vector<1024x64xf32> -> vector<1024x128xf32>
    %broadcast_in_dim3A = vector.shape_cast %rsqrt3A : vector<1024xf32> to vector<1024x1xf32>
    %mul3A = vector.broadcast %broadcast_in_dim3A : vector<1024x1xf32> to vector<1024x128xf32>
    %mul3A_22 = arith.mulf %concatenate3A, %mul3A : vector<1024x128xf32>
    %get3A_23 = arith.constant 0 : index
    %get3A_24 = arith.constant 0 : index
    %get3A_25 = vector.load %arg3[%get3A_23, %get3A_24] : memref<1x128xf32, #tpu.memory_space<vmem>>, vector<1x128xf32>
    %add3A_26 = vector.broadcast %get3A_25 : vector<1x128xf32> to vector<1024x128xf32>
    %add3A_27 = arith.addf %mul3A_22, %add3A_26 : vector<1024x128xf32>
    %swap3A = arith.constant 0 : index
    %swap3A_28 = arith.constant 0 : index
    %swap3A_29 = vector.load %arg4[%swap3A, %swap3A_28] : memref<1024x128xf32, #tpu.memory_space<vmem>>, vector<1024x128xf32>
    tpu.vector_store %arg4[%swap3A, %swap3A_28], %add3A_27 {strides = array<i32>} : memref<1024x128xf32, #tpu.memory_space<vmem>>, vector<1024x128xf32>,
    return
  }
  func.func @transform_0(%arg0: i32) -> (i32, i32, i32) {
    %c0_i32 = arith.constant 0 : i32
    %c0_i32_0 = arith.constant 0 : i32
    %c0_i32_1 = arith.constant 0 : i32
    return %c0_i32, %arg0, %c0_i32_0 : i32, i32, i32
  }
  func.func @transform_1(%arg0: i32) -> (i32, i32, i32) {
    %c0_i32 = arith.constant 0 : i32
    %c0_i32_0 = arith.constant 0 : i32
    %c0_i32_1 = arith.constant 0 : i32
    return %c0_i32, %arg0, %c0_i32_0 : i32, i32, i32
  }
  func.func @transform_2(%arg0: i32) -> (i32, i32) {
    %c0_i32 = arith.constant 0 : i32
    %c0_i32_0 = arith.constant 0 : i32
    %c0_i32_1 = arith.constant 0 : i32
    return %c0_i32, %c0_i32_0 : i32, i32
  }
  func.func @transform_3(%arg0: i32) -> (i32, i32) {
    %c0_i32 = arith.constant 0 : i32
    %c0_i32_0 = arith.constant 0 : i32
    return %arg0, %c0_i32 : i32, i32
  }
}

</mosaic_0001>

<sc_bundles>
// kernel: _run.12.cloned.1.call-start
scs
__scs_entry_jumppad:
0x0: {  	(pc) =	sbr.rel $0x88, $3  }
0x1: {  	(tag) =	ssettag $0x0;
	lr =	simm.s32 $0x1  }
0x2: {  	[smem:$0x3F9A] =	sst lr;
	_ =	strace $0xD0000000  }
0x3: {  	_ = 	snop  }
0x4: {  	_ = 	snop  }
0x5: {  	_ = 	snop  }
0x6: {  	_ = 	snop  }
0x7: {  	_ = 	snop  }
__scs_overlays_trampoline_lowered:
0x8: {  	[smem:$0x3FA9] =	sst s0  }
0x9: {  	[smem:$0x3FAA] =	sst s1  }
0xa: {  	[smem:$0x3FAB] =	sst s2  }
0xb: {  	[smem:$0x3FAC] =	sst s3  }
0xc: {  	[smem:$0x3FAD] =	sst s4  }
0xd: {  	[smem:$0x3FAE] =	sst s5  }
0xe: {  	[smem:$0x3FAF] =	sst s6  }
0xf: {  	[smem:$0x3FB0] =	sst s7  }
0x10: {  	[smem:$0x3FB1] =	sst s8  }
0x11: {  	[smem:$0x3FB2] =	sst s9;
	s0 =	simm.s32 @!p0 $0x0  }
0x12: {  	s1 =	sld [smem:$0x3F98];
	s0 =	simm.s32 @p0 $0x1  }
0x13: {  	[smem:$0x3FB3] =	sst s0;
	s0 =	simm.s32 @!p1 $0x0  }
0x14: {  	s2 =	sld [smem:$0x3F97];
	s0 =	simm.s32 @p1 $0x1  }
0x15: {  	[smem:$0x3FB4] =	sst s0;
	s0 =	simm.s32 @!p2 $0x0  }
0x16: {  	s3 =	sld [smem:$0x3FDB];
	s0 =	simm.s32 @p2 $0x1  }
0x17: {  	s4 =	simm.s32 $0x1BF5;
	[smem:$0x3FB6] =	sst s0  }
0x18: {  	s0 =	sld [smem:$0x3F99];
	_ =	swait.ge [sflag:s4], $0x0  }
0x19: {  	s7 =	sld [smem:$0x3F9A]  }
0x1a: {  	s8 =	sadd.s32 $0xFFFFE003, lr  }
0x1b: {  	s9 =	sadd.s32 $0xFFFFFEF7, lr;
	s5 =	simm.s32 $0xFFFFFFFF;
	p2 =	slt.u32 s8, $0xFFFFF086  }
0x1c: {  	p1 =	slt.u32 s9, $0xF7A;
	s5 =	simm.s32 @!p2 $0x0  }
0x1d: {  	s5 =	simm.s32 @p1 $0x1;
	p0 =	seq.s32 s7, s2  }
0x1e: {  	s7 =	smul.u32 @!p0 $0xF7A, s2;
	p2 =	seq.s32 @!p0 s5, $0x0  }
0x1f: {  	s9 =	smul.u32 $0xF7A, s1;
	s8 =	simm.s32 @!p0 $0x1BF5;
	p2 =	por !p2, p0  }
0x20: {  	[sflag:s8] =	ssyncset.s32 @!p0 $0xFFFFF086;
	s6 =	sadd.s32 @!p0 s3, s7;
	s7 =	simm.s32 @!p0 $0x108  }
0x21: {  	s3 =	sadd.s32 s3, s9;
	s6 =	sadd.s32 @!p0 $0x88, s6;
	s7 =	simm.s32 @p2 $0x1082  }
0x22: {  	[simem:s7], [sflag:s8] =	dma.local @!p0 [hbm:s6], $0xF7A  }
0x23: {  	s9 =	sor.u32 $0xD0000000, s2;
	s6 =	simm.s32 $0x108;
	_ =	swait.ge @!p0 [sflag:s8], $0x0  }
0x24: {  	s3 =	sadd.s32 $0x88, s3;
	s6 =	simm.s32 @!p1 $0x1082;
	[sflag:s4] =	ssyncset.s32 $0xFFFFF086  }
0x25: {  	[simem:s6], [sflag:s4] =	dma.local [hbm:s3], $0xF7A  }
0x26: {  	[smem:$0x3F9A] =	sst s1;
	(tag) =	ssettag s2;
	_ =	strace s9  }
0x27: {  	s1 =	sld [smem:$0x3FAA]  }
0x28: {  	s2 =	sld [smem:$0x3FAB]  }
0x29: {  	s4 =	sld [smem:$0x3FAD]  }
0x2a: {  	p0 =	seq.s32 s5, $0x0;
	s5 =	sld [smem:$0x3FAE]  }
0x2b: {  	s6 =	sld [smem:$0x3FAF]  }
0x2c: {  	s7 =	sld [smem:$0x3FB0]  }
0x2d: {  	s3 =	simm.s32 $0x108;
	s8 =	sld [smem:$0x3FB1]  }
0x2e: {  	s3 =	simm.s32 @!p0 $0x1082;
	s9 =	sld [smem:$0x3FB2]  }
0x2f: {  	lr =	sadd.s32 s0, s3;
	s0 =	sld [smem:$0x3FA9]  }
0x30: {  	s3 =	sld [smem:$0x3FAC]  }
0x31: {  	[smem:$0x3FB5] =	sst s10  }
0x32: {  	s10 =	sld [smem:$0x3FB3];
	_ =	sdelay $0x3  }
0x33: {  	p0 =	seq.s32 s10, $0x1;
	s10 =	sld [smem:$0x3FB5];
	_ =	sdelay $0x3  }
0x34: {  	[smem:$0x3FB5] =	sst s10  }
0x35: {  	s10 =	sld [smem:$0x3FB4];
	_ =	sdelay $0x3  }
0x36: {  	p1 =	seq.s32 s10, $0x1;
	s10 =	sld [smem:$0x3FB5];
	_ =	sdelay $0x3  }
0x37: {  	[smem:$0x3FB5] =	sst s10  }
0x38: {  	s10 =	sld [smem:$0x3FB6]  }
0x39: {  	_ = 	snop;
	(pc) =	sbr.ind lr, $3  }
0x3a: {  	_ = 	snop  }
0x3b: {  	_ = 	snop  }
0x3c: {  	p2 =	seq.s32 s10, $0x1;
	s10 =	sld [smem:$0x3FB5]  }
0x3d: {  	_ =	shalt  }
0x3e: {  	_ =	shalt  }
0x3f: {  	_ =	shalt  }
0x40: {  	_ =	shalt  }
0x41: {  	_ =	shalt  }
0x42: {  	_ =	shalt  }
0x43: {  	_ =	shalt  }
0x44: {  	_ =	shalt  }
0x45: {  	_ =	shalt  }
0x46: {  	_ =	shalt  }
0x47: {  	_ =	shalt  }
0x48: {  	_ =	shalt  }
0x49: {  	_ =	shalt  }
0x4a: {  	_ =	shalt  }
0x4b: {  	_ =	shalt  }
0x4c: {  	_ =	shalt  }
0x4d: {  	_ =	shalt  }
0x4e: {  	_ =	shalt  }
0x4f: {  	_ =	shalt  }
0x50: {  	_ =	shalt  }
0x51: {  	_ =	shalt  }
0x52: {  	_ =	shalt  }
0x53: {  	_ =	shalt  }
0x54: {  	_ =	shalt  }
0x55: {  	_ =	shalt  }
0x56: {  	_ =	shalt  }
0x57: {  	_ =	shalt  }
0x58: {  	_ =	shalt  }
0x59: {  	_ =	shalt  }
0x5a: {  	_ =	shalt  }
0x5b: {  	_ =	shalt  }
0x5c: {  	_ =	shalt  }
0x5d: {  	_ =	shalt  }
0x5e: {  	_ =	shalt  }
0x5f: {  	_ =	shalt  }
0x60: {  	_ =	shalt  }
0x61: {  	_ =	shalt  }
0x62: {  	_ =	shalt  }
0x63: {  	_ =	shalt  }
0x64: {  	_ =	shalt  }
0x65: {  	_ =	shalt  }
0x66: {  	_ =	shalt  }
0x67: {  	_ =	shalt  }
0x68: {  	_ =	shalt  }
0x69: {  	_ =	shalt  }
0x6a: {  	_ =	shalt  }
0x6b: {  	_ =	shalt  }
0x6c: {  	_ =	shalt  }
0x6d: {  	_ =	shalt  }
0x6e: {  	_ =	shalt  }
0x6f: {  	_ =	shalt  }
0x70: {  	_ =	shalt  }
0x71: {  	_ =	shalt  }
0x72: {  	_ =	shalt  }
0x73: {  	_ =	shalt  }
0x74: {  	_ =	shalt  }
0x75: {  	_ =	shalt  }
0x76: {  	_ =	shalt  }
0x77: {  	_ =	shalt  }
0x78: {  	_ =	shalt  }
0x79: {  	_ =	shalt  }
0x7a: {  	_ =	shalt  }
0x7b: {  	_ =	shalt  }
0x7c: {  	_ =	shalt  }
0x7d: {  	_ =	shalt  }
0x7e: {  	_ =	shalt  }
0x7f: {  	_ =	shalt  }
0x80: {  	_ =	shalt  }
0x81: {  	_ =	shalt  }
0x82: {  	_ =	shalt  }
0x83: {  	_ =	shalt  }
0x84: {  	_ =	shalt  }
0x85: {  	_ =	shalt  }
0x86: {  	_ =	shalt  }
0x87: {  	_ =	shalt  }
.Lfunc_end0:
.L_simem_size_0:
called_computation.1_lowered:
.L_overlay_start_0:
0x88: {  	s2 =	sld [smem:$0x3FD9]  }
0x89: {  	s3 =	sld [smem:$0x3FFE];
	_ =	sdelay $0x1  }
0x8a: {  	s1 =	srdreg.scid  }
0x8b: {  	s0 =	sand.u32 $0x1, s1  }
0x8c: {  	s17 =	sshll.u32 s0, $0xA;
	s2 =	sadd.s32 s3, s2  }
0x8d: {  	s2 =	sadd.s32 s2, s17  }
0x8e: {  	[smem:$0x3FC1] =	sst s2  }
0x8f: {  	_ = 	snop  }
0x90: {  	s2 =	sld [smem:$0x3FD0];
	(tm) =	ssettm $0x1  }
0x91: {  	s18 =	sld [smem:$0x3FFB];
	_ =	sdelay $0x3  }
0x92: {  	_ =	strace s18  }
0x93: {  	s3 =	sld [smem:$0x3FFC];
	_ =	sdelay $0x3  }
0x94: {  	_ =	strace s3  }
0x95: {  	s3 =	sld [smem:$0x3FFD];
	_ =	sdelay $0x3  }
0x96: {  	_ =	strace s3  }
0x97: {  	_ =	strace $0x8FFFFFFF  }
0x98: {  	s19 =	sld [smem:$0x3FDB];
	_ =	sdelay $0x1  }
0x99: {  	s4 =	simm.s32 $_scs_section_size  }
0x9a: {  	s5 =	simm.s32 $_size__tile_overlayer_lowered;
	s6 =	simm.s32 $_tile_overlayer_lowered  }
0x9b: {  	s22 =	simm.s32 $0x1BFF;
	s21 =	sshll.u32 s6, $0x1;
	s3 =	sadd.s32 s4, s19  }
0x9c: {  	s7 =	simm.s32 $0x0;
	s20 =	sshll.u32 s5, $0x1;
	s5 =	sadd.s32 s21, s3  }
0x9d: {  	[timem:s7], [sflag:s22] =	dma.local [hbm:s5], s20  }
0x9e: {  	_ =	swait.ge [sflag:s22], s20  }
0x9f: {  	s4 =	ssub.s32 $0x0, s20;
	[sflag:s22] =	ssyncset.done $0x0  }
0xa0: {  	[sflag:s22] =	ssyncadd.s32 s4;
	_ =	sdelay $0x1  }
0xa1: {  	s23 =	simm.s32 $0x1B8B  }
0xa2: {  	_ =	swait.ge [sflag:s23], $0x1  }
0xa3: {  	[sflag:s23] =	ssyncset.done $0x0  }
0xa4: {  	s25 =	simm.s32 $0x1B8E;
	s24 =	sld [smem:$0x3FFE];
	[sflag:s23] =	ssyncadd.s32 $0xFFFFFFFF  }
0xa5: {  	s26 =	simm.s32 $execute0_lowered;
	[smem:$0x3FD2] =	sst s25  }
0xa6: {  	s5 =	sshll.u32 s26, $0x1;
	_ =	strace $0x80000049;
	[dreg:$0x1] =	wrdreg $0xFFFFFFFF  }
0xa7: {  	s28 =	simm.s32 $_size_execute0_lowered;
	s3 =	sadd.s32 s3, s5;
	[dreg:$0x0] =	wrdreg $0x0  }
0xa8: {  	s5 =	sshll.u32 s28, $0x1;
	[dreg:$0x2] =	wrdreg s3  }
0xa9: {  	[dreg:$0x3] =	wrdreg s5  }
0xaa: {  	[dreg:$0x4] =	wrdreg $0xC0  }
0xab: {  	_ =	task [dreg:s7], $0x5FFFF  }
0xac: {  	[dreg:$0x1] =	wrdreg $0xFFFFFFFF  }
0xad: {  	[dreg:$0x0] =	wrdreg $0x60  }
0xae: {  	[dreg:$0x2] =	wrdreg s24  }
0xaf: {  	[dreg:$0x3] =	wrdreg s2  }
0xb0: {  	[dreg:$0x4] =	wrdreg $0x120000  }
0xb1: {  	[dreg:$0x5] =	wrdreg $0x9  }
0xb2: {  	_ =	task.clear_ibuf [dreg:s7], $0x6FFFF;
	_ =	strace $0x90000049  }
0xb3: {  	s29 =	simm.s32 $0x9;
	_ =	strace $0x8000004B  }
0xb4: {  	_ =	swait.ge [sflag:s29], $0x1  }
0xb5: {  	[sflag:s29] =	ssyncadd.s32 $0xFFFFFFFF  }
0xb6: {  	_ =	strace $0x9000004B  }
0xb7: {  	_ =	sfence  }
0xb8: {  	s30 =	sld [smem:$0x0];
	_ =	sdelay $0x2  }
0xb9: {  	s31 =	sshll.u32 s1, $0xD;
	s1 =	sshrl.u32 s1, $0x2  }
0xba: {  	s3 =	sand.u32 $0x4000, s31;
	s1 =	sadd.s32 s1, s30  }
0xbb: {  	s0 =	sor.u32 s3, s0;
	s1 =	sshll.u32 s1, $0x11  }
0xbc: {  	s0 =	sor.u32 s1, s0  }
0xbd: {  	s0 =	sadd.s32 $0x8F2B, s0  }
0xbe: {  	[sflag:s0] =	ssyncadd.remote.s32 $0x1  }
0xbf: {  	_ =	sfence.sel $0xFFFF  }
0xc0: {  	[dreg:$0x0] =	wrdreg $0xFFFFFFFF;
	(pc) =	sbr.abs _section_cstart, $3  }
0xc1: {  	[dreg:$0x1] =	wrdreg $0xFFFFFFFF  }
0xc2: {  	_ =	task.clear_ibuf [dreg:s7], $0x2FFFF;
	_ =	strace $0x9FFFFFFF  }
0xc3: {  	(tm) =	ssettm $0x7FFFFFFF  }
tec
execute0_lowered:
.L_overlay_start_1:
0x0: {  	(tag) =	ssettag $0x1  }
0x1: {  	s1 =	rddreg [dreg:$0x0]  }
0x2: {  	s7 =	rddreg [dreg:$0x1];
	s0 =	stileid.u32  }
0x3: {  	s3 =	srdreg.scid;
	s2 =	rddreg [dreg:$0x2]  }
0x4: {  	s13 =	simm.s32 $0x5000;
	s14 =	simm.s32 $0x80;
	s15 =	simm.s32 $0xA000  }
0x5: {  	s16 =	simm.s32 $0xC000;
	s17 =	simm.s32 $0x100;
	s18 =	simm.s32 $0xE000  }
0x6: {  	s19 =	simm.s32 $0x180;
	s20 =	simm.s32 $0x10000;
	s21 =	simm.s32 $0x1  }
0x7: {  	s22 =	simm.s32 $0x2;
	s23 =	simm.s32 $0x3;
	s28 =	simm.s32 $0x9F00  }
0x8: {  	s29 =	simm.s32 $0x9F80;
	s30 =	simm.s32 $0x0;
	s5 =	smul.u32 $0x5000, s0  }
0x9: {  	s6 =	sand.u32 $0x1, s3;
	s3 =	simm.s32 $0x0;
	s9 =	smul.u32 $0x280, s0  }
0xa: {  	s4 =	sadd.s32 $0x70E00, s1;
	s24 =	smul.u32 $0x28000, s0;
	s26 =	sshll.u32 s0, $0x6  }
0xb: {  	s8 =	smul.u32 $0x2800, s6;
	[smem:$0x7FF] =	sst s3;
	s11 =	ssub.s32 $0x2, s6  }
0xc: {  	s6 =	smul.u32 $0x50000, s6;
	_ =	strace $0x8000004A;
	s10 =	sshrl.u32 s5, $0x3  }
0xd: {  	s12 =	sshrl.u32 s11, $0x1;
	s10 =	sadd.s32 s10, s1;
	s8 =	sadd.s32 s9, s8  }
0xe: {  	s9 =	sshrl.u32 s24, $0x2;
	s11 =	ssub.s32 s11, s12;
	s6 =	sadd.s32 s5, s6  }
0xf: {  	s12 =	simm.s32 $0x5;
	s24 =	simm.s32 $0x4;
	s8 =	sshll.u32 s8, $0x3  }
0x10: {  	s25 =	sadd.s32 s9, s2;
	s31 =	sshrl.u32 s6, $0x3;
	s6 =	sor.u32 $0x1C05, s26  }
0x11: {  	s26 =	simm.s32 $0x9E80;
	s1 =	sadd.s32 s8, s1;
	s5 =	sadd.s32 s4, s8  }
0x12: {  	s7 =	sadd.s32 s7, s31;
	s8 =	sadd.s32 $0x16E00, s10;
	s10 =	smax.u32 s11, $0x1  }
0x13: {  	s11 =	sshrl.u32 s25, $0x3;
	s25 =	simm.s32 $0x9E00;
	s9 =	sadd.s32 $0x98E00, s1  }
.LBB2_1:
0x14: {  	[spmem:s11], [sflag:s6] =	dma.local [hbm:s5], $0x1400  }
0x15: {  	_ =	swait.ge [sflag:s12], $0x1400  }
0x16: {  	[sflag:s12] =	ssyncset.done $0x0  }
0x17: {  	[sflag:s12] =	ssyncadd.s32 $0xFFFFEC00  }
0x18: {  	[tilespmem:s3], [sflag:$0x5] =	stream.linear.gather [hbm4b:s7+s3], $0x5000, $0x38;
	[tilespmem:$0x1C000] =	vst v63  }
0x19: {  	_ =	swait.ge [sflag:s12], $0x5000  }
0x1a: {  	[sflag:s12] =	ssyncset.done $0x0  }
0x1b: {  	[sflag:s12] =	ssyncadd.s32 $0xFFFFB000  }
0x1c: {  	[tilespmem:s13], [sflag:$0x5] =	stream.linear.gather [hbm4b:s8+s3], $0x5000, $0x38;
	[tilespmem:$0x1C000] =	vst v63  }
0x1d: {  	_ =	swait.ge [sflag:s12], $0x5000  }
0x1e: {  	[sflag:s12] =	ssyncset.done $0x0  }
0x1f: {  	[sflag:s12] =	ssyncadd.s32 $0xFFFFB000  }
0x20: {  	[bflag:$0x0] =	sbarrier.arrive $0xFFFF  }
0x21: {  	[tilespmem:s15], [sflag:$0x1] =	stream.indirect.gather [hbm4b:s4+s14], $0x40, s3, s14, $0xb8;
	[tilespmem:$0x1C000] =	vst v63  }
0x22: {  	_ = 	snop  }
0x23: {  	[tilespmem:s16], [sflag:$0x2] =	stream.indirect.gather [hbm4b:s4+s14], $0x40, s14, s14, $0xb8;
	[tilespmem:$0x1C000] =	vst v63  }
0x24: {  	_ = 	snop  }
0x25: {  	[tilespmem:s18], [sflag:$0x3] =	stream.indirect.gather [hbm4b:s4+s14], $0x40, s17, s14, $0xb8;
	[tilespmem:$0x1C000] =	vst v63  }
0x26: {  	_ = 	snop  }
0x27: {  	[tilespmem:s20], [sflag:$0x4] =	stream.indirect.gather [hbm4b:s4+s14], $0x40, s19, s14, $0xb8;
	[tilespmem:$0x1C000] =	vst v63  }
0x28: {  	_ =	swait.ge [sflag:s21], $0x2000  }
0x29: {  	[sflag:s21] =	ssyncset.done $0x0  }
0x2a: {  	s1 =	simm.s32 $0x5000;
	[sflag:s21] =	ssyncadd.s32 $0xFFFFE000  }
0x2b: {  	[spmem:s2] =	stream.indirect.scatter.add.f32 [tilespmem:s15], [sflag:$0x5], $0x40, s1, s14, $0xb8;
	[tilespmem:$0x1C000] =	vst v63  }
0x2c: {  	_ =	swait.ge [sflag:s12], $0x2000  }
0x2d: {  	[sflag:s12] =	ssyncset.done $0x0  }
0x2e: {  	s0 =	simm.s32 $0x200;
	[sflag:s12] =	ssyncadd.s32 $0xFFFFE000  }
0x2f: {  	[tilespmem:s15], [sflag:$0x1] =	stream.indirect.gather [hbm4b:s4+s14], $0x40, s0, s14, $0xb8;
	[tilespmem:$0x1C000] =	vst v63  }
0x30: {  	_ =	swait.ge [sflag:s22], $0x2000  }
0x31: {  	[sflag:s22] =	ssyncset.done $0x0  }
0x32: {  	s0 =	simm.s32 $0x5080;
	[sflag:s22] =	ssyncadd.s32 $0xFFFFE000  }
0x33: {  	[spmem:s2] =	stream.indirect.scatter.add.f32 [tilespmem:s16], [sflag:$0x5], $0x40, s0, s14, $0xb8;
	[tilespmem:$0x1C000] =	vst v63  }
0x34: {  	_ =	swait.ge [sflag:s12], $0x2000  }
0x35: {  	[sflag:s12] =	ssyncset.done $0x0  }
0x36: {  	s0 =	simm.s32 $0x280;
	[sflag:s12] =	ssyncadd.s32 $0xFFFFE000  }
0x37: {  	[tilespmem:s16], [sflag:$0x2] =	stream.indirect.gather [hbm4b:s4+s14], $0x40, s0, s14, $0xb8;
	[tilespmem:$0x1C000] =	vst v63  }
0x38: {  	_ =	swait.ge [sflag:s23], $0x2000  }
0x39: {  	[sflag:s23] =	ssyncset.done $0x0  }
0x3a: {  	s0 =	simm.s32 $0x5100;
	[sflag:s23] =	ssyncadd.s32 $0xFFFFE000  }
0x3b: {  	[spmem:s2] =	stream.indirect.scatter.add.f32 [tilespmem:s18], [sflag:$0x5], $0x40, s0, s14, $0xb8;
	[tilespmem:$0x1C000] =	vst v63  }
0x3c: {  	_ =	swait.ge [sflag:s12], $0x2000  }
0x3d: {  	[sflag:s12] =	ssyncset.done $0x0  }
0x3e: {  	s0 =	simm.s32 $0x300;
	[sflag:s12] =	ssyncadd.s32 $0xFFFFE000  }
0x3f: {  	[tilespmem:s18], [sflag:$0x3] =	stream.indirect.gather [hbm4b:s4+s14], $0x40, s0, s14, $0xb8;
	[tilespmem:$0x1C000] =	vst v63  }
0x40: {  	_ =	swait.ge [sflag:s24], $0x2000  }
0x41: {  	[sflag:s24] =	ssyncset.done $0x0  }
0x42: {  	s0 =	simm.s32 $0x5180;
	[sflag:s24] =	ssyncadd.s32 $0xFFFFE000  }
0x43: {  	[spmem:s2] =	stream.indirect.scatter.add.f32 [tilespmem:s20], [sflag:$0x5], $0x40, s0, s14, $0xb8;
	[tilespmem:$0x1C000] =	vst v63  }
0x44: {  	_ =	swait.ge [sflag:s12], $0x2000  }
0x45: {  	[sflag:s12] =	ssyncset.done $0x0  }
0x46: {  	s31 =	simm.s32 $0x800;
	s1 =	simm.s32 $0x380;
	[sflag:s12] =	ssyncadd.s32 $0xFFFFE000  }
.LBB2_2:
0x47: {  	[tilespmem:s20], [sflag:$0x4] =	stream.indirect.gather [hbm4b:s4+s14], $0x40, s1, s14, $0xb8;
	[tilespmem:$0x1C000] =	vst v63  }
0x48: {  	s1 =	smov.u32 s31  }
0x49: {  	p0 =	sne.s32 s31, $0x13000;
	s31 =	sadd.s32 $0x800, s31;
	_ =	swait.ge [sflag:s21], $0x2000  }
0x4a: {  	s1 =	sshra.s32 s1, $0x2;
	[sflag:s21] =	ssyncset.done $0x0  }
0x4b: {  	s0 =	sadd.s32 $0x5000, s1;
	[sflag:s21] =	ssyncadd.s32 $0xFFFFE000  }
0x4c: {  	[spmem:s2] =	stream.indirect.scatter.add.f32 [tilespmem:s15], [sflag:$0x5], $0x40, s0, s14, $0xb8;
	[tilespmem:$0x1C000] =	vst v63  }
0x4d: {  	_ =	swait.ge [sflag:s12], $0x2000  }
0x4e: {  	[sflag:s12] =	ssyncset.done $0x0  }
0x4f: {  	s0 =	sadd.s32 $0x200, s1;
	[sflag:s12] =	ssyncadd.s32 $0xFFFFE000  }
0x50: {  	[tilespmem:s15], [sflag:$0x1] =	stream.indirect.gather [hbm4b:s4+s14], $0x40, s0, s14, $0xb8;
	[tilespmem:$0x1C000] =	vst v63  }
0x51: {  	_ =	swait.ge [sflag:s22], $0x2000  }
0x52: {  	[sflag:s22] =	ssyncset.done $0x0  }
0x53: {  	s0 =	sadd.s32 $0x5080, s1;
	[sflag:s22] =	ssyncadd.s32 $0xFFFFE000  }
0x54: {  	[spmem:s2] =	stream.indirect.scatter.add.f32 [tilespmem:s16], [sflag:$0x5], $0x40, s0, s14, $0xb8;
	[tilespmem:$0x1C000] =	vst v63  }
0x55: {  	_ =	swait.ge [sflag:s12], $0x2000  }
0x56: {  	[sflag:s12] =	ssyncset.done $0x0  }
0x57: {  	s0 =	sadd.s32 $0x280, s1;
	[sflag:s12] =	ssyncadd.s32 $0xFFFFE000  }
0x58: {  	[tilespmem:s16], [sflag:$0x2] =	stream.indirect.gather [hbm4b:s4+s14], $0x40, s0, s14, $0xb8;
	[tilespmem:$0x1C000] =	vst v63  }
0x59: {  	_ =	swait.ge [sflag:s23], $0x2000  }
0x5a: {  	[sflag:s23] =	ssyncset.done $0x0  }
0x5b: {  	s0 =	sadd.s32 $0x5100, s1;
	[sflag:s23] =	ssyncadd.s32 $0xFFFFE000  }
0x5c: {  	[spmem:s2] =	stream.indirect.scatter.add.f32 [tilespmem:s18], [sflag:$0x5], $0x40, s0, s14, $0xb8;
	[tilespmem:$0x1C000] =	vst v63  }
0x5d: {  	_ =	swait.ge [sflag:s12], $0x2000  }
0x5e: {  	[sflag:s12] =	ssyncset.done $0x0  }
0x5f: {  	s0 =	sadd.s32 $0x300, s1;
	[sflag:s12] =	ssyncadd.s32 $0xFFFFE000  }
0x60: {  	[tilespmem:s18], [sflag:$0x3] =	stream.indirect.gather [hbm4b:s4+s14], $0x40, s0, s14, $0xb8;
	[tilespmem:$0x1C000] =	vst v63  }
0x61: {  	_ =	swait.ge [sflag:s24], $0x2000  }
0x62: {  	[sflag:s24] =	ssyncset.done $0x0  }
.Ltmp0:
0x63: {  	s0 =	sadd.s32 $0x5180, s1;
	[sflag:s24] =	ssyncadd.s32 $0xFFFFE000;
	(pc) =	sbr.rel @p0 .LBB2_2-.Ltmp0, $4  }
0x64: {  	[spmem:s2] =	stream.indirect.scatter.add.f32 [tilespmem:s20], [sflag:$0x5], $0x40, s0, s14, $0xb8;
	[tilespmem:$0x1C000] =	vst v63  }
0x65: {  	_ =	swait.ge [sflag:s12], $0x2000  }
0x66: {  	[sflag:s12] =	ssyncset.done $0x0  }
0x67: {  	s1 =	sadd.s32 $0x380, s1;
	[sflag:s12] =	ssyncadd.s32 $0xFFFFE000  }
0x68: {  	[tilespmem:s20], [sflag:$0x4] =	stream.indirect.gather [hbm4b:s4+s14], $0x40, s1, s14, $0xb8;
	[tilespmem:$0x1C000] =	vst v63  }
0x69: {  	_ =	swait.ge [sflag:s21], $0x2000  }
0x6a: {  	[sflag:s21] =	ssyncset.done $0x0  }
0x6b: {  	[sflag:s21] =	ssyncadd.s32 $0xFFFFE000  }
0x6c: {  	[spmem:s2] =	stream.indirect.scatter.add.f32 [tilespmem:s15], [sflag:$0x5], $0x40, s25, s14, $0xb8;
	[tilespmem:$0x1C000] =	vst v63  }
0x6d: {  	_ =	swait.ge [sflag:s12], $0x2000  }
0x6e: {  	[sflag:s12] =	ssyncset.done $0x0  }
0x6f: {  	[sflag:s12] =	ssyncadd.s32 $0xFFFFE000  }
0x70: {  	_ =	swait.ge [sflag:s22], $0x2000  }
0x71: {  	[sflag:s22] =	ssyncset.done $0x0  }
0x72: {  	[sflag:s22] =	ssyncadd.s32 $0xFFFFE000  }
0x73: {  	[spmem:s2] =	stream.indirect.scatter.add.f32 [tilespmem:s16], [sflag:$0x5], $0x40, s26, s14, $0xb8;
	[tilespmem:$0x1C000] =	vst v63  }
0x74: {  	_ =	swait.ge [sflag:s12], $0x2000  }
0x75: {  	[sflag:s12] =	ssyncset.done $0x0  }
0x76: {  	[sflag:s12] =	ssyncadd.s32 $0xFFFFE000  }
0x77: {  	_ =	swait.ge [sflag:s23], $0x2000  }
0x78: {  	[sflag:s23] =	ssyncset.done $0x0  }
0x79: {  	[sflag:s23] =	ssyncadd.s32 $0xFFFFE000  }
0x7a: {  	[spmem:s2] =	stream.indirect.scatter.add.f32 [tilespmem:s18], [sflag:$0x5], $0x40, s28, s14, $0xb8;
	[tilespmem:$0x1C000] =	vst v63  }
0x7b: {  	_ =	swait.ge [sflag:s12], $0x2000  }
0x7c: {  	[sflag:s12] =	ssyncset.done $0x0  }
0x7d: {  	[sflag:s12] =	ssyncadd.s32 $0xFFFFE000  }
0x7e: {  	_ =	swait.ge [sflag:s24], $0x2000  }
0x7f: {  	[sflag:s24] =	ssyncset.done $0x0  }
0x80: {  	[sflag:s24] =	ssyncadd.s32 $0xFFFFE000  }
0x81: {  	[spmem:s2] =	stream.indirect.scatter.add.f32 [tilespmem:s20], [sflag:$0x5], $0x40, s29, s14, $0xb8;
	[tilespmem:$0x1C000] =	vst v63  }
0x82: {  	_ =	swait.ge [sflag:s12], $0x2000  }
0x83: {  	s30 =	sadd.s32 $0x1, s30;
	[sflag:s12] =	ssyncset.done $0x0  }
0x84: {  	p0 =	sne.s32 s30, s10;
	[sflag:s12] =	ssyncadd.s32 $0xFFFFE000  }
.Ltmp1:
0x85: {  	[bflag:$0x0] =	sbarrier.arrive $0xFFFF;
	(pc) =	sbr.rel @p0 .LBB2_1-.Ltmp1, $4  }
0x86: {  	[hbm:s9], [sflag:s6] =	dma.local [spmem:s11], $0x1400  }
0x87: {  	_ =	swait.ge [sflag:s12], $0x1400  }
0x88: {  	[sflag:s12] =	ssyncset.done $0x0  }
0x89: {  	[sflag:s12] =	ssyncadd.s32 $0xFFFFEC00  }
0x8a: {  	_ =	sfence.sel $0x180000  }
0x8b: {  	[bflag:$0x0] =	sbarrier.arrive $0xFFFF  }
0x8c: {  	_ =	strace $0x9000004A  }
0x8d: {  	s0 =	stileid.u32;
	[bflag:$0x2] =	sbarrier.arrive $0xFFFF  }
0x8e: {  	p0 =	sne.s32 s0, $0x0;
	s0 =	rddreg [dreg:$0x3]  }
0x8f: {  	s0 =	sadd.s32 @!p0 $0x100000, s0  }
0x90: {  	[sflag:s0] =	ssyncadd.tile.s32 @!p0 $0x1;
	_ =	shalt  }
.Lfunc_end2:
_tile_overlayer_lowered:
.L_overlay_start_2:
0x91: {  	(tag) =	ssettag $0x2  }
0x92: {  	s0 =	rddreg [dreg:$0x0];
	s2 =	stileid.u32  }
0x93: {  	s1 =	rddreg [dreg:$0x1];
	p0 =	sne.s32 s2, $0x0  }
0x94: {  	s3 =	rddreg [dreg:$0x2];
	[bflag:$0x3] =	sbarrier.arrive $0xFFFF;
	s2 =	simm.s32 @!p0 $0x1C05  }
0x95: {  	[timem:s3], [sflag:s2] =	dma.local @!p0 [hbm:s0], s1  }
0x96: {  	s0 =	simm.s32 @!p0 $0x5  }
0x97: {  	_ =	swait.ge @!p0 [sflag:s0], s1  }
0x98: {  	s1 =	ssub.s32 @!p0 $0x0, s1;
	[sflag:s0] =	ssyncset.done @!p0 $0x0  }
0x99: {  	[sflag:s0] =	ssyncadd.s32 @!p0 s1  }
0x9a: {  	[bflag:$0x3] =	sbarrier.arrive $0xFFFF  }
0x9b: {  	_ =	shalt  }

// kernel: _run.15.cloned.1.call-start
scs
__scs_entry_jumppad:
0x0: {  	(pc) =	sbr.rel $0x88, $3  }
0x1: {  	(tag) =	ssettag $0x0;
	lr =	simm.s32 $0x1  }
0x2: {  	[smem:$0x3F9A] =	sst lr;
	_ =	strace $0xD0000000  }
0x3: {  	_ = 	snop  }
0x4: {  	_ = 	snop  }
0x5: {  	_ = 	snop  }
0x6: {  	_ = 	snop  }
0x7: {  	_ = 	snop  }
__scs_overlays_trampoline_lowered:
0x8: {  	[smem:$0x3FA9] =	sst s0  }
0x9: {  	[smem:$0x3FAA] =	sst s1  }
0xa: {  	[smem:$0x3FAB] =	sst s2  }
0xb: {  	[smem:$0x3FAC] =	sst s3  }
0xc: {  	[smem:$0x3FAD] =	sst s4  }
0xd: {  	[smem:$0x3FAE] =	sst s5  }
0xe: {  	[smem:$0x3FAF] =	sst s6  }
0xf: {  	[smem:$0x3FB0] =	sst s7  }
0x10: {  	[smem:$0x3FB1] =	sst s8  }
0x11: {  	[smem:$0x3FB2] =	sst s9;
	s0 =	simm.s32 @!p0 $0x0  }
0x12: {  	s1 =	sld [smem:$0x3F98];
	s0 =	simm.s32 @p0 $0x1  }
0x13: {  	[smem:$0x3FB3] =	sst s0;
	s0 =	simm.s32 @!p1 $0x0  }
0x14: {  	s2 =	sld [smem:$0x3F97];
	s0 =	simm.s32 @p1 $0x1  }
0x15: {  	[smem:$0x3FB4] =	sst s0;
	s0 =	simm.s32 @!p2 $0x0  }
0x16: {  	s3 =	sld [smem:$0x3FDB];
	s0 =	simm.s32 @p2 $0x1  }
0x17: {  	s4 =	simm.s32 $0x1BF5;
	[smem:$0x3FB6] =	sst s0  }
0x18: {  	s0 =	sld [smem:$0x3F99];
	_ =	swait.ge [sflag:s4], $0x0  }
0x19: {  	s7 =	sld [smem:$0x3F9A]  }
0x1a: {  	s8 =	sadd.s32 $0xFFFFE003, lr  }
0x1b: {  	s9 =	sadd.s32 $0xFFFFFEF7, lr;
	s5 =	simm.s32 $0xFFFFFFFF;
	p2 =	slt.u32 s8, $0xFFFFF086  }
0x1c: {  	p1 =	slt.u32 s9, $0xF7A;
	s5 =	simm.s32 @!p2 $0x0  }
0x1d: {  	s5 =	simm.s32 @p1 $0x1;
	p0 =	seq.s32 s7, s2  }
0x1e: {  	s7 =	smul.u32 @!p0 $0xF7A, s2;
	p2 =	seq.s32 @!p0 s5, $0x0  }
0x1f: {  	s9 =	smul.u32 $0xF7A, s1;
	s8 =	simm.s32 @!p0 $0x1BF5;
	p2 =	por !p2, p0  }
0x20: {  	[sflag:s8] =	ssyncset.s32 @!p0 $0xFFFFF086;
	s6 =	sadd.s32 @!p0 s3, s7;
	s7 =	simm.s32 @!p0 $0x108  }
0x21: {  	s3 =	sadd.s32 s3, s9;
	s6 =	sadd.s32 @!p0 $0x88, s6;
	s7 =	simm.s32 @p2 $0x1082  }
0x22: {  	[simem:s7], [sflag:s8] =	dma.local @!p0 [hbm:s6], $0xF7A  }
0x23: {  	s9 =	sor.u32 $0xD0000000, s2;
	s6 =	simm.s32 $0x108;
	_ =	swait.ge @!p0 [sflag:s8], $0x0  }
0x24: {  	s3 =	sadd.s32 $0x88, s3;
	s6 =	simm.s32 @!p1 $0x1082;
	[sflag:s4] =	ssyncset.s32 $0xFFFFF086  }
0x25: {  	[simem:s6], [sflag:s4] =	dma.local [hbm:s3], $0xF7A  }
0x26: {  	[smem:$0x3F9A] =	sst s1;
	(tag) =	ssettag s2;
	_ =	strace s9  }
0x27: {  	s1 =	sld [smem:$0x3FAA]  }
0x28: {  	s2 =	sld [smem:$0x3FAB]  }
0x29: {  	s4 =	sld [smem:$0x3FAD]  }
0x2a: {  	p0 =	seq.s32 s5, $0x0;
	s5 =	sld [smem:$0x3FAE]  }
0x2b: {  	s6 =	sld [smem:$0x3FAF]  }
0x2c: {  	s7 =	sld [smem:$0x3FB0]  }
0x2d: {  	s3 =	simm.s32 $0x108;
	s8 =	sld [smem:$0x3FB1]  }
0x2e: {  	s3 =	simm.s32 @!p0 $0x1082;
	s9 =	sld [smem:$0x3FB2]  }
0x2f: {  	lr =	sadd.s32 s0, s3;
	s0 =	sld [smem:$0x3FA9]  }
0x30: {  	s3 =	sld [smem:$0x3FAC]  }
0x31: {  	[smem:$0x3FB5] =	sst s10  }
0x32: {  	s10 =	sld [smem:$0x3FB3];
	_ =	sdelay $0x3  }
0x33: {  	p0 =	seq.s32 s10, $0x1;
	s10 =	sld [smem:$0x3FB5];
	_ =	sdelay $0x3  }
0x34: {  	[smem:$0x3FB5] =	sst s10  }
0x35: {  	s10 =	sld [smem:$0x3FB4];
	_ =	sdelay $0x3  }
0x36: {  	p1 =	seq.s32 s10, $0x1;
	s10 =	sld [smem:$0x3FB5];
	_ =	sdelay $0x3  }
0x37: {  	[smem:$0x3FB5] =	sst s10  }
0x38: {  	s10 =	sld [smem:$0x3FB6]  }
0x39: {  	_ = 	snop;
	(pc) =	sbr.ind lr, $3  }
0x3a: {  	_ = 	snop  }
0x3b: {  	_ = 	snop  }
0x3c: {  	p2 =	seq.s32 s10, $0x1;
	s10 =	sld [smem:$0x3FB5]  }
0x3d: {  	_ =	shalt  }
0x3e: {  	_ =	shalt  }
0x3f: {  	_ =	shalt  }
0x40: {  	_ =	shalt  }
0x41: {  	_ =	shalt  }
0x42: {  	_ =	shalt  }
0x43: {  	_ =	shalt  }
0x44: {  	_ =	shalt  }
0x45: {  	_ =	shalt  }
0x46: {  	_ =	shalt  }
0x47: {  	_ =	shalt  }
0x48: {  	_ =	shalt  }
0x49: {  	_ =	shalt  }
0x4a: {  	_ =	shalt  }
0x4b: {  	_ =	shalt  }
0x4c: {  	_ =	shalt  }
0x4d: {  	_ =	shalt  }
0x4e: {  	_ =	shalt  }
0x4f: {  	_ =	shalt  }
0x50: {  	_ =	shalt  }
0x51: {  	_ =	shalt  }
0x52: {  	_ =	shalt  }
0x53: {  	_ =	shalt  }
0x54: {  	_ =	shalt  }
0x55: {  	_ =	shalt  }
0x56: {  	_ =	shalt  }
0x57: {  	_ =	shalt  }
0x58: {  	_ =	shalt  }
0x59: {  	_ =	shalt  }
0x5a: {  	_ =	shalt  }
0x5b: {  	_ =	shalt  }
0x5c: {  	_ =	shalt  }
0x5d: {  	_ =	shalt  }
0x5e: {  	_ =	shalt  }
0x5f: {  	_ =	shalt  }
0x60: {  	_ =	shalt  }
0x61: {  	_ =	shalt  }
0x62: {  	_ =	shalt  }
0x63: {  	_ =	shalt  }
0x64: {  	_ =	shalt  }
0x65: {  	_ =	shalt  }
0x66: {  	_ =	shalt  }
0x67: {  	_ =	shalt  }
0x68: {  	_ =	shalt  }
0x69: {  	_ =	shalt  }
0x6a: {  	_ =	shalt  }
0x6b: {  	_ =	shalt  }
0x6c: {  	_ =	shalt  }
0x6d: {  	_ =	shalt  }
0x6e: {  	_ =	shalt  }
0x6f: {  	_ =	shalt  }
0x70: {  	_ =	shalt  }
0x71: {  	_ =	shalt  }
0x72: {  	_ =	shalt  }
0x73: {  	_ =	shalt  }
0x74: {  	_ =	shalt  }
0x75: {  	_ =	shalt  }
0x76: {  	_ =	shalt  }
0x77: {  	_ =	shalt  }
0x78: {  	_ =	shalt  }
0x79: {  	_ =	shalt  }
0x7a: {  	_ =	shalt  }
0x7b: {  	_ =	shalt  }
0x7c: {  	_ =	shalt  }
0x7d: {  	_ =	shalt  }
0x7e: {  	_ =	shalt  }
0x7f: {  	_ =	shalt  }
0x80: {  	_ =	shalt  }
0x81: {  	_ =	shalt  }
0x82: {  	_ =	shalt  }
0x83: {  	_ =	shalt  }
0x84: {  	_ =	shalt  }
0x85: {  	_ =	shalt  }
0x86: {  	_ =	shalt  }
0x87: {  	_ =	shalt  }
.Lfunc_end0:
.L_simem_size_0:
called_computation.2_lowered:
.L_overlay_start_0:
0x88: {  	s2 =	sld [smem:$0x3FD9]  }
0x89: {  	s3 =	sld [smem:$0x3FFE];
	_ =	sdelay $0x1  }
0x8a: {  	s1 =	srdreg.scid  }
0x8b: {  	s0 =	sand.u32 $0x1, s1  }
0x8c: {  	s17 =	sshll.u32 s0, $0xA;
	s2 =	sadd.s32 s3, s2  }
0x8d: {  	s2 =	sadd.s32 s2, s17  }
0x8e: {  	[smem:$0x3FC1] =	sst s2  }
0x8f: {  	_ = 	snop  }
0x90: {  	s2 =	sld [smem:$0x3FD0];
	(tm) =	ssettm $0x1  }
0x91: {  	s18 =	sld [smem:$0x3FFB];
	_ =	sdelay $0x3  }
0x92: {  	_ =	strace s18  }
0x93: {  	s3 =	sld [smem:$0x3FFC];
	_ =	sdelay $0x3  }
0x94: {  	_ =	strace s3  }
0x95: {  	s3 =	sld [smem:$0x3FFD];
	_ =	sdelay $0x3  }
0x96: {  	_ =	strace s3  }
0x97: {  	_ =	strace $0x8FFFFFFF  }
0x98: {  	s19 =	sld [smem:$0x3FDB];
	_ =	sdelay $0x1  }
0x99: {  	s4 =	simm.s32 $_scs_section_size  }
0x9a: {  	s5 =	simm.s32 $_size__tile_overlayer_lowered;
	s6 =	simm.s32 $_tile_overlayer_lowered  }
0x9b: {  	s22 =	simm.s32 $0x1BFF;
	s21 =	sshll.u32 s6, $0x1;
	s3 =	sadd.s32 s4, s19  }
0x9c: {  	s7 =	simm.s32 $0x0;
	s20 =	sshll.u32 s5, $0x1;
	s5 =	sadd.s32 s21, s3  }
0x9d: {  	[timem:s7], [sflag:s22] =	dma.local [hbm:s5], s20  }
0x9e: {  	_ =	swait.ge [sflag:s22], s20  }
0x9f: {  	s4 =	ssub.s32 $0x0, s20;
	[sflag:s22] =	ssyncset.done $0x0  }
0xa0: {  	[sflag:s22] =	ssyncadd.s32 s4;
	_ =	sdelay $0x1  }
0xa1: {  	s23 =	simm.s32 $0x1B8B  }
0xa2: {  	_ =	swait.ge [sflag:s23], $0x1  }
0xa3: {  	[sflag:s23] =	ssyncset.done $0x0  }
0xa4: {  	s25 =	simm.s32 $0x1B8E;
	s24 =	sld [smem:$0x3FFE];
	[sflag:s23] =	ssyncadd.s32 $0xFFFFFFFF  }
0xa5: {  	s26 =	simm.s32 $execute0_lowered;
	[smem:$0x3FD2] =	sst s25  }
0xa6: {  	s5 =	sshll.u32 s26, $0x1;
	_ =	strace $0x8000004C;
	[dreg:$0x1] =	wrdreg $0xFFFFFFFF  }
0xa7: {  	s28 =	simm.s32 $_size_execute0_lowered;
	s3 =	sadd.s32 s3, s5;
	[dreg:$0x0] =	wrdreg $0x0  }
0xa8: {  	s5 =	sshll.u32 s28, $0x1;
	[dreg:$0x2] =	wrdreg s3  }
0xa9: {  	[dreg:$0x3] =	wrdreg s5  }
0xaa: {  	[dreg:$0x4] =	wrdreg $0xC0  }
0xab: {  	_ =	task [dreg:s7], $0x5FFFF  }
0xac: {  	[dreg:$0x1] =	wrdreg $0xFFFFFFFF  }
0xad: {  	[dreg:$0x0] =	wrdreg $0x60  }
0xae: {  	[dreg:$0x2] =	wrdreg s24  }
0xaf: {  	[dreg:$0x3] =	wrdreg s2  }
0xb0: {  	[dreg:$0x4] =	wrdreg $0x120000  }
0xb1: {  	[dreg:$0x5] =	wrdreg $0x9  }
0xb2: {  	_ =	task.clear_ibuf [dreg:s7], $0x6FFFF;
	_ =	strace $0x9000004C  }
0xb3: {  	s29 =	simm.s32 $0x9;
	_ =	strace $0x8000004E  }
0xb4: {  	_ =	swait.ge [sflag:s29], $0x1  }
0xb5: {  	[sflag:s29] =	ssyncadd.s32 $0xFFFFFFFF  }
0xb6: {  	_ =	strace $0x9000004E  }
0xb7: {  	_ =	sfence  }
0xb8: {  	s30 =	sld [smem:$0x0];
	_ =	sdelay $0x2  }
0xb9: {  	s31 =	sshll.u32 s1, $0xD;
	s1 =	sshrl.u32 s1, $0x2  }
0xba: {  	s3 =	sand.u32 $0x4000, s31;
	s1 =	sadd.s32 s1, s30  }
0xbb: {  	s0 =	sor.u32 s3, s0;
	s1 =	sshll.u32 s1, $0x11  }
0xbc: {  	s0 =	sor.u32 s1, s0  }
0xbd: {  	s0 =	sadd.s32 $0x8F2B, s0  }
0xbe: {  	[sflag:s0] =	ssyncadd.remote.s32 $0x1  }
0xbf: {  	_ =	sfence.sel $0xFFFF  }
0xc0: {  	[dreg:$0x0] =	wrdreg $0xFFFFFFFF;
	(pc) =	sbr.abs _section_cstart, $3  }
0xc1: {  	[dreg:$0x1] =	wrdreg $0xFFFFFFFF  }
0xc2: {  	_ =	task.clear_ibuf [dreg:s7], $0x2FFFF;
	_ =	strace $0x9FFFFFFF  }
0xc3: {  	(tm) =	ssettm $0x7FFFFFFF  }
tec
execute0_lowered:
.L_overlay_start_1:
0x0: {  	(tag) =	ssettag $0x1  }
0x1: {  	s1 =	rddreg [dreg:$0x0]  }
0x2: {  	s7 =	rddreg [dreg:$0x1];
	s0 =	stileid.u32  }
0x3: {  	s3 =	srdreg.scid;
	s2 =	rddreg [dreg:$0x2]  }
0x4: {  	s13 =	simm.s32 $0x5000;
	s14 =	simm.s32 $0x80;
	s15 =	simm.s32 $0xA000  }
0x5: {  	s16 =	simm.s32 $0xC000;
	s17 =	simm.s32 $0x100;
	s18 =	simm.s32 $0xE000  }
0x6: {  	s19 =	simm.s32 $0x180;
	s20 =	simm.s32 $0x10000;
	s21 =	simm.s32 $0x1  }
0x7: {  	s22 =	simm.s32 $0x2;
	s23 =	simm.s32 $0x3;
	s28 =	simm.s32 $0x9F00  }
0x8: {  	s29 =	simm.s32 $0x9F80;
	s30 =	simm.s32 $0x0;
	s5 =	smul.u32 $0x5000, s0  }
0x9: {  	s6 =	sand.u32 $0x1, s3;
	s3 =	simm.s32 $0x0;
	s9 =	smul.u32 $0x280, s0  }
0xa: {  	s4 =	sadd.s32 $0x20E00, s1;
	s24 =	smul.u32 $0x28000, s0;
	s26 =	sshll.u32 s0, $0x6  }
0xb: {  	s8 =	smul.u32 $0x2800, s6;
	[smem:$0x7FF] =	sst s3;
	s11 =	ssub.s32 $0x2, s6  }
0xc: {  	s6 =	smul.u32 $0x50000, s6;
	_ =	strace $0x8000004D;
	s10 =	sshrl.u32 s5, $0x3  }
0xd: {  	s12 =	sshrl.u32 s11, $0x1;
	s10 =	sadd.s32 s10, s1;
	s8 =	sadd.s32 s9, s8  }
0xe: {  	s9 =	sshrl.u32 s24, $0x2;
	s11 =	ssub.s32 s11, s12;
	s6 =	sadd.s32 s5, s6  }
0xf: {  	s12 =	simm.s32 $0x5;
	s24 =	simm.s32 $0x4;
	s8 =	sshll.u32 s8, $0x3  }
0x10: {  	s25 =	sadd.s32 s9, s2;
	s31 =	sshrl.u32 s6, $0x3;
	s6 =	sor.u32 $0x1C05, s26  }
0x11: {  	s26 =	simm.s32 $0x9E80;
	s1 =	sadd.s32 s8, s1;
	s5 =	sadd.s32 s4, s8  }
0x12: {  	s7 =	sadd.s32 s7, s31;
	s8 =	sadd.s32 $0x16E00, s10;
	s10 =	smax.u32 s11, $0x1  }
0x13: {  	s11 =	sshrl.u32 s25, $0x3;
	s25 =	simm.s32 $0x9E00;
	s9 =	sadd.s32 $0x48E00, s1  }
.LBB2_1:
0x14: {  	[spmem:s11], [sflag:s6] =	dma.local [hbm:s5], $0x1400  }
0x15: {  	_ =	swait.ge [sflag:s12], $0x1400  }
0x16: {  	[sflag:s12] =	ssyncset.done $0x0  }
0x17: {  	[sflag:s12] =	ssyncadd.s32 $0xFFFFEC00  }
0x18: {  	[tilespmem:s3], [sflag:$0x5] =	stream.linear.gather [hbm4b:s7+s3], $0x5000, $0x38;
	[tilespmem:$0x1C000] =	vst v63  }
0x19: {  	_ =	swait.ge [sflag:s12], $0x5000  }
0x1a: {  	[sflag:s12] =	ssyncset.done $0x0  }
0x1b: {  	[sflag:s12] =	ssyncadd.s32 $0xFFFFB000  }
0x1c: {  	[tilespmem:s13], [sflag:$0x5] =	stream.linear.gather [hbm4b:s8+s3], $0x5000, $0x38;
	[tilespmem:$0x1C000] =	vst v63  }
0x1d: {  	_ =	swait.ge [sflag:s12], $0x5000  }
0x1e: {  	[sflag:s12] =	ssyncset.done $0x0  }
0x1f: {  	[sflag:s12] =	ssyncadd.s32 $0xFFFFB000  }
0x20: {  	[bflag:$0x0] =	sbarrier.arrive $0xFFFF  }
0x21: {  	[tilespmem:s15], [sflag:$0x1] =	stream.indirect.gather [hbm4b:s4+s14], $0x40, s3, s14, $0xb8;
	[tilespmem:$0x1C000] =	vst v63  }
0x22: {  	_ = 	snop  }
0x23: {  	[tilespmem:s16], [sflag:$0x2] =	stream.indirect.gather [hbm4b:s4+s14], $0x40, s14, s14, $0xb8;
	[tilespmem:$0x1C000] =	vst v63  }
0x24: {  	_ = 	snop  }
0x25: {  	[tilespmem:s18], [sflag:$0x3] =	stream.indirect.gather [hbm4b:s4+s14], $0x40, s17, s14, $0xb8;
	[tilespmem:$0x1C000] =	vst v63  }
0x26: {  	_ = 	snop  }
0x27: {  	[tilespmem:s20], [sflag:$0x4] =	stream.indirect.gather [hbm4b:s4+s14], $0x40, s19, s14, $0xb8;
	[tilespmem:$0x1C000] =	vst v63  }
0x28: {  	_ =	swait.ge [sflag:s21], $0x2000  }
0x29: {  	[sflag:s21] =	ssyncset.done $0x0  }
0x2a: {  	s1 =	simm.s32 $0x5000;
	[sflag:s21] =	ssyncadd.s32 $0xFFFFE000  }
0x2b: {  	[spmem:s2] =	stream.indirect.scatter.add.f32 [tilespmem:s15], [sflag:$0x5], $0x40, s1, s14, $0xb8;
	[tilespmem:$0x1C000] =	vst v63  }
0x2c: {  	_ =	swait.ge [sflag:s12], $0x2000  }
0x2d: {  	[sflag:s12] =	ssyncset.done $0x0  }
0x2e: {  	s0 =	simm.s32 $0x200;
	[sflag:s12] =	ssyncadd.s32 $0xFFFFE000  }
0x2f: {  	[tilespmem:s15], [sflag:$0x1] =	stream.indirect.gather [hbm4b:s4+s14], $0x40, s0, s14, $0xb8;
	[tilespmem:$0x1C000] =	vst v63  }
0x30: {  	_ =	swait.ge [sflag:s22], $0x2000  }
0x31: {  	[sflag:s22] =	ssyncset.done $0x0  }
0x32: {  	s0 =	simm.s32 $0x5080;
	[sflag:s22] =	ssyncadd.s32 $0xFFFFE000  }
0x33: {  	[spmem:s2] =	stream.indirect.scatter.add.f32 [tilespmem:s16], [sflag:$0x5], $0x40, s0, s14, $0xb8;
	[tilespmem:$0x1C000] =	vst v63  }
0x34: {  	_ =	swait.ge [sflag:s12], $0x2000  }
0x35: {  	[sflag:s12] =	ssyncset.done $0x0  }
0x36: {  	s0 =	simm.s32 $0x280;
	[sflag:s12] =	ssyncadd.s32 $0xFFFFE000  }
0x37: {  	[tilespmem:s16], [sflag:$0x2] =	stream.indirect.gather [hbm4b:s4+s14], $0x40, s0, s14, $0xb8;
	[tilespmem:$0x1C000] =	vst v63  }
0x38: {  	_ =	swait.ge [sflag:s23], $0x2000  }
0x39: {  	[sflag:s23] =	ssyncset.done $0x0  }
0x3a: {  	s0 =	simm.s32 $0x5100;
	[sflag:s23] =	ssyncadd.s32 $0xFFFFE000  }
0x3b: {  	[spmem:s2] =	stream.indirect.scatter.add.f32 [tilespmem:s18], [sflag:$0x5], $0x40, s0, s14, $0xb8;
	[tilespmem:$0x1C000] =	vst v63  }
0x3c: {  	_ =	swait.ge [sflag:s12], $0x2000  }
0x3d: {  	[sflag:s12] =	ssyncset.done $0x0  }
0x3e: {  	s0 =	simm.s32 $0x300;
	[sflag:s12] =	ssyncadd.s32 $0xFFFFE000  }
0x3f: {  	[tilespmem:s18], [sflag:$0x3] =	stream.indirect.gather [hbm4b:s4+s14], $0x40, s0, s14, $0xb8;
	[tilespmem:$0x1C000] =	vst v63  }
0x40: {  	_ =	swait.ge [sflag:s24], $0x2000  }
0x41: {  	[sflag:s24] =	ssyncset.done $0x0  }
0x42: {  	s0 =	simm.s32 $0x5180;
	[sflag:s24] =	ssyncadd.s32 $0xFFFFE000  }
0x43: {  	[spmem:s2] =	stream.indirect.scatter.add.f32 [tilespmem:s20], [sflag:$0x5], $0x40, s0, s14, $0xb8;
	[tilespmem:$0x1C000] =	vst v63  }
0x44: {  	_ =	swait.ge [sflag:s12], $0x2000  }
0x45: {  	[sflag:s12] =	ssyncset.done $0x0  }
0x46: {  	s31 =	simm.s32 $0x800;
	s1 =	simm.s32 $0x380;
	[sflag:s12] =	ssyncadd.s32 $0xFFFFE000  }
.LBB2_2:
0x47: {  	[tilespmem:s20], [sflag:$0x4] =	stream.indirect.gather [hbm4b:s4+s14], $0x40, s1, s14, $0xb8;
	[tilespmem:$0x1C000] =	vst v63  }
0x48: {  	s1 =	smov.u32 s31  }
0x49: {  	p0 =	sne.s32 s31, $0x13000;
	s31 =	sadd.s32 $0x800, s31;
	_ =	swait.ge [sflag:s21], $0x2000  }
0x4a: {  	s1 =	sshra.s32 s1, $0x2;
	[sflag:s21] =	ssyncset.done $0x0  }
0x4b: {  	s0 =	sadd.s32 $0x5000, s1;
	[sflag:s21] =	ssyncadd.s32 $0xFFFFE000  }
0x4c: {  	[spmem:s2] =	stream.indirect.scatter.add.f32 [tilespmem:s15], [sflag:$0x5], $0x40, s0, s14, $0xb8;
	[tilespmem:$0x1C000] =	vst v63  }
0x4d: {  	_ =	swait.ge [sflag:s12], $0x2000  }
0x4e: {  	[sflag:s12] =	ssyncset.done $0x0  }
0x4f: {  	s0 =	sadd.s32 $0x200, s1;
	[sflag:s12] =	ssyncadd.s32 $0xFFFFE000  }
0x50: {  	[tilespmem:s15], [sflag:$0x1] =	stream.indirect.gather [hbm4b:s4+s14], $0x40, s0, s14, $0xb8;
	[tilespmem:$0x1C000] =	vst v63  }
0x51: {  	_ =	swait.ge [sflag:s22], $0x2000  }
0x52: {  	[sflag:s22] =	ssyncset.done $0x0  }
0x53: {  	s0 =	sadd.s32 $0x5080, s1;
	[sflag:s22] =	ssyncadd.s32 $0xFFFFE000  }
0x54: {  	[spmem:s2] =	stream.indirect.scatter.add.f32 [tilespmem:s16], [sflag:$0x5], $0x40, s0, s14, $0xb8;
	[tilespmem:$0x1C000] =	vst v63  }
0x55: {  	_ =	swait.ge [sflag:s12], $0x2000  }
0x56: {  	[sflag:s12] =	ssyncset.done $0x0  }
0x57: {  	s0 =	sadd.s32 $0x280, s1;
	[sflag:s12] =	ssyncadd.s32 $0xFFFFE000  }
0x58: {  	[tilespmem:s16], [sflag:$0x2] =	stream.indirect.gather [hbm4b:s4+s14], $0x40, s0, s14, $0xb8;
	[tilespmem:$0x1C000] =	vst v63  }
0x59: {  	_ =	swait.ge [sflag:s23], $0x2000  }
0x5a: {  	[sflag:s23] =	ssyncset.done $0x0  }
0x5b: {  	s0 =	sadd.s32 $0x5100, s1;
	[sflag:s23] =	ssyncadd.s32 $0xFFFFE000  }
0x5c: {  	[spmem:s2] =	stream.indirect.scatter.add.f32 [tilespmem:s18], [sflag:$0x5], $0x40, s0, s14, $0xb8;
	[tilespmem:$0x1C000] =	vst v63  }
0x5d: {  	_ =	swait.ge [sflag:s12], $0x2000  }
0x5e: {  	[sflag:s12] =	ssyncset.done $0x0  }
0x5f: {  	s0 =	sadd.s32 $0x300, s1;
	[sflag:s12] =	ssyncadd.s32 $0xFFFFE000  }
0x60: {  	[tilespmem:s18], [sflag:$0x3] =	stream.indirect.gather [hbm4b:s4+s14], $0x40, s0, s14, $0xb8;
	[tilespmem:$0x1C000] =	vst v63  }
0x61: {  	_ =	swait.ge [sflag:s24], $0x2000  }
0x62: {  	[sflag:s24] =	ssyncset.done $0x0  }
.Ltmp0:
0x63: {  	s0 =	sadd.s32 $0x5180, s1;
	[sflag:s24] =	ssyncadd.s32 $0xFFFFE000;
	(pc) =	sbr.rel @p0 .LBB2_2-.Ltmp0, $4  }
0x64: {  	[spmem:s2] =	stream.indirect.scatter.add.f32 [tilespmem:s20], [sflag:$0x5], $0x40, s0, s14, $0xb8;
	[tilespmem:$0x1C000] =	vst v63  }
0x65: {  	_ =	swait.ge [sflag:s12], $0x2000  }
0x66: {  	[sflag:s12] =	ssyncset.done $0x0  }
0x67: {  	s1 =	sadd.s32 $0x380, s1;
	[sflag:s12] =	ssyncadd.s32 $0xFFFFE000  }
0x68: {  	[tilespmem:s20], [sflag:$0x4] =	stream.indirect.gather [hbm4b:s4+s14], $0x40, s1, s14, $0xb8;
	[tilespmem:$0x1C000] =	vst v63  }
0x69: {  	_ =	swait.ge [sflag:s21], $0x2000  }
0x6a: {  	[sflag:s21] =	ssyncset.done $0x0  }
0x6b: {  	[sflag:s21] =	ssyncadd.s32 $0xFFFFE000  }
0x6c: {  	[spmem:s2] =	stream.indirect.scatter.add.f32 [tilespmem:s15], [sflag:$0x5], $0x40, s25, s14, $0xb8;
	[tilespmem:$0x1C000] =	vst v63  }
0x6d: {  	_ =	swait.ge [sflag:s12], $0x2000  }
0x6e: {  	[sflag:s12] =	ssyncset.done $0x0  }
0x6f: {  	[sflag:s12] =	ssyncadd.s32 $0xFFFFE000  }
0x70: {  	_ =	swait.ge [sflag:s22], $0x2000  }
0x71: {  	[sflag:s22] =	ssyncset.done $0x0  }
0x72: {  	[sflag:s22] =	ssyncadd.s32 $0xFFFFE000  }
0x73: {  	[spmem:s2] =	stream.indirect.scatter.add.f32 [tilespmem:s16], [sflag:$0x5], $0x40, s26, s14, $0xb8;
	[tilespmem:$0x1C000] =	vst v63  }
0x74: {  	_ =	swait.ge [sflag:s12], $0x2000  }
0x75: {  	[sflag:s12] =	ssyncset.done $0x0  }
0x76: {  	[sflag:s12] =	ssyncadd.s32 $0xFFFFE000  }
0x77: {  	_ =	swait.ge [sflag:s23], $0x2000  }
0x78: {  	[sflag:s23] =	ssyncset.done $0x0  }
0x79: {  	[sflag:s23] =	ssyncadd.s32 $0xFFFFE000  }
0x7a: {  	[spmem:s2] =	stream.indirect.scatter.add.f32 [tilespmem:s18], [sflag:$0x5], $0x40, s28, s14, $0xb8;
	[tilespmem:$0x1C000] =	vst v63  }
0x7b: {  	_ =	swait.ge [sflag:s12], $0x2000  }
0x7c: {  	[sflag:s12] =	ssyncset.done $0x0  }
0x7d: {  	[sflag:s12] =	ssyncadd.s32 $0xFFFFE000  }
0x7e: {  	_ =	swait.ge [sflag:s24], $0x2000  }
0x7f: {  	[sflag:s24] =	ssyncset.done $0x0  }
0x80: {  	[sflag:s24] =	ssyncadd.s32 $0xFFFFE000  }
0x81: {  	[spmem:s2] =	stream.indirect.scatter.add.f32 [tilespmem:s20], [sflag:$0x5], $0x40, s29, s14, $0xb8;
	[tilespmem:$0x1C000] =	vst v63  }
0x82: {  	_ =	swait.ge [sflag:s12], $0x2000  }
0x83: {  	s30 =	sadd.s32 $0x1, s30;
	[sflag:s12] =	ssyncset.done $0x0  }
0x84: {  	p0 =	sne.s32 s30, s10;
	[sflag:s12] =	ssyncadd.s32 $0xFFFFE000  }
.Ltmp1:
0x85: {  	[bflag:$0x0] =	sbarrier.arrive $0xFFFF;
	(pc) =	sbr.rel @p0 .LBB2_1-.Ltmp1, $4  }
0x86: {  	[hbm:s9], [sflag:s6] =	dma.local [spmem:s11], $0x1400  }
0x87: {  	_ =	swait.ge [sflag:s12], $0x1400  }
0x88: {  	[sflag:s12] =	ssyncset.done $0x0  }
0x89: {  	[sflag:s12] =	ssyncadd.s32 $0xFFFFEC00  }
0x8a: {  	_ =	sfence.sel $0x180000  }
0x8b: {  	[bflag:$0x0] =	sbarrier.arrive $0xFFFF  }
0x8c: {  	_ =	strace $0x9000004D  }
0x8d: {  	s0 =	stileid.u32;
	[bflag:$0x2] =	sbarrier.arrive $0xFFFF  }
0x8e: {  	p0 =	sne.s32 s0, $0x0;
	s0 =	rddreg [dreg:$0x3]  }
0x8f: {  	s0 =	sadd.s32 @!p0 $0x100000, s0  }
0x90: {  	[sflag:s0] =	ssyncadd.tile.s32 @!p0 $0x1;
	_ =	shalt  }
.Lfunc_end2:
_tile_overlayer_lowered:
.L_overlay_start_2:
0x91: {  	(tag) =	ssettag $0x2  }
0x92: {  	s0 =	rddreg [dreg:$0x0];
	s2 =	stileid.u32  }
0x93: {  	s1 =	rddreg [dreg:$0x1];
	p0 =	sne.s32 s2, $0x0  }
0x94: {  	s3 =	rddreg [dreg:$0x2];
	[bflag:$0x3] =	sbarrier.arrive $0xFFFF;
	s2 =	simm.s32 @!p0 $0x1C05  }
0x95: {  	[timem:s3], [sflag:s2] =	dma.local @!p0 [hbm:s0], s1  }
0x96: {  	s0 =	simm.s32 @!p0 $0x5  }
0x97: {  	_ =	swait.ge @!p0 [sflag:s0], s1  }
0x98: {  	s1 =	ssub.s32 @!p0 $0x0, s1;
	[sflag:s0] =	ssyncset.done @!p0 $0x0  }
0x99: {  	[sflag:s0] =	ssyncadd.s32 @!p0 s1  }
0x9a: {  	[bflag:$0x3] =	sbarrier.arrive $0xFFFF  }
0x9b: {  	_ =	shalt  }

// kernel: _run.9.cloned.1.call-start
scs
__scs_entry_jumppad:
0x0: {  	(pc) =	sbr.rel $0x88, $3  }
0x1: {  	(tag) =	ssettag $0x0;
	lr =	simm.s32 $0x1  }
0x2: {  	[smem:$0x3F9A] =	sst lr;
	_ =	strace $0xD0000000  }
0x3: {  	_ = 	snop  }
0x4: {  	_ = 	snop  }
0x5: {  	_ = 	snop  }
0x6: {  	_ = 	snop  }
0x7: {  	_ = 	snop  }
__scs_overlays_trampoline_lowered:
0x8: {  	[smem:$0x3FA9] =	sst s0  }
0x9: {  	[smem:$0x3FAA] =	sst s1  }
0xa: {  	[smem:$0x3FAB] =	sst s2  }
0xb: {  	[smem:$0x3FAC] =	sst s3  }
0xc: {  	[smem:$0x3FAD] =	sst s4  }
0xd: {  	[smem:$0x3FAE] =	sst s5  }
0xe: {  	[smem:$0x3FAF] =	sst s6  }
0xf: {  	[smem:$0x3FB0] =	sst s7  }
0x10: {  	[smem:$0x3FB1] =	sst s8  }
0x11: {  	[smem:$0x3FB2] =	sst s9;
	s0 =	simm.s32 @!p0 $0x0  }
0x12: {  	s1 =	sld [smem:$0x3F98];
	s0 =	simm.s32 @p0 $0x1  }
0x13: {  	[smem:$0x3FB3] =	sst s0;
	s0 =	simm.s32 @!p1 $0x0  }
0x14: {  	s2 =	sld [smem:$0x3F97];
	s0 =	simm.s32 @p1 $0x1  }
0x15: {  	[smem:$0x3FB4] =	sst s0;
	s0 =	simm.s32 @!p2 $0x0  }
0x16: {  	s3 =	sld [smem:$0x3FDB];
	s0 =	simm.s32 @p2 $0x1  }
0x17: {  	s4 =	simm.s32 $0x1BF5;
	[smem:$0x3FB6] =	sst s0  }
0x18: {  	s0 =	sld [smem:$0x3F99];
	_ =	swait.ge [sflag:s4], $0x0  }
0x19: {  	s7 =	sld [smem:$0x3F9A]  }
0x1a: {  	s8 =	sadd.s32 $0xFFFFE003, lr  }
0x1b: {  	s9 =	sadd.s32 $0xFFFFFEF7, lr;
	s5 =	simm.s32 $0xFFFFFFFF;
	p2 =	slt.u32 s8, $0xFFFFF086  }
0x1c: {  	p1 =	slt.u32 s9, $0xF7A;
	s5 =	simm.s32 @!p2 $0x0  }
0x1d: {  	s5 =	simm.s32 @p1 $0x1;
	p0 =	seq.s32 s7, s2  }
0x1e: {  	s7 =	smul.u32 @!p0 $0xF7A, s2;
	p2 =	seq.s32 @!p0 s5, $0x0  }
0x1f: {  	s9 =	smul.u32 $0xF7A, s1;
	s8 =	simm.s32 @!p0 $0x1BF5;
	p2 =	por !p2, p0  }
0x20: {  	[sflag:s8] =	ssyncset.s32 @!p0 $0xFFFFF086;
	s6 =	sadd.s32 @!p0 s3, s7;
	s7 =	simm.s32 @!p0 $0x108  }
0x21: {  	s3 =	sadd.s32 s3, s9;
	s6 =	sadd.s32 @!p0 $0x88, s6;
	s7 =	simm.s32 @p2 $0x1082  }
0x22: {  	[simem:s7], [sflag:s8] =	dma.local @!p0 [hbm:s6], $0xF7A  }
0x23: {  	s9 =	sor.u32 $0xD0000000, s2;
	s6 =	simm.s32 $0x108;
	_ =	swait.ge @!p0 [sflag:s8], $0x0  }
0x24: {  	s3 =	sadd.s32 $0x88, s3;
	s6 =	simm.s32 @!p1 $0x1082;
	[sflag:s4] =	ssyncset.s32 $0xFFFFF086  }
0x25: {  	[simem:s6], [sflag:s4] =	dma.local [hbm:s3], $0xF7A  }
0x26: {  	[smem:$0x3F9A] =	sst s1;
	(tag) =	ssettag s2;
	_ =	strace s9  }
0x27: {  	s1 =	sld [smem:$0x3FAA]  }
0x28: {  	s2 =	sld [smem:$0x3FAB]  }
0x29: {  	s4 =	sld [smem:$0x3FAD]  }
0x2a: {  	p0 =	seq.s32 s5, $0x0;
	s5 =	sld [smem:$0x3FAE]  }
0x2b: {  	s6 =	sld [smem:$0x3FAF]  }
0x2c: {  	s7 =	sld [smem:$0x3FB0]  }
0x2d: {  	s3 =	simm.s32 $0x108;
	s8 =	sld [smem:$0x3FB1]  }
0x2e: {  	s3 =	simm.s32 @!p0 $0x1082;
	s9 =	sld [smem:$0x3FB2]  }
0x2f: {  	lr =	sadd.s32 s0, s3;
	s0 =	sld [smem:$0x3FA9]  }
0x30: {  	s3 =	sld [smem:$0x3FAC]  }
0x31: {  	[smem:$0x3FB5] =	sst s10  }
0x32: {  	s10 =	sld [smem:$0x3FB3];
	_ =	sdelay $0x3  }
0x33: {  	p0 =	seq.s32 s10, $0x1;
	s10 =	sld [smem:$0x3FB5];
	_ =	sdelay $0x3  }
0x34: {  	[smem:$0x3FB5] =	sst s10  }
0x35: {  	s10 =	sld [smem:$0x3FB4];
	_ =	sdelay $0x3  }
0x36: {  	p1 =	seq.s32 s10, $0x1;
	s10 =	sld [smem:$0x3FB5];
	_ =	sdelay $0x3  }
0x37: {  	[smem:$0x3FB5] =	sst s10  }
0x38: {  	s10 =	sld [smem:$0x3FB6]  }
0x39: {  	_ = 	snop;
	(pc) =	sbr.ind lr, $3  }
0x3a: {  	_ = 	snop  }
0x3b: {  	_ = 	snop  }
0x3c: {  	p2 =	seq.s32 s10, $0x1;
	s10 =	sld [smem:$0x3FB5]  }
0x3d: {  	_ =	shalt  }
0x3e: {  	_ =	shalt  }
0x3f: {  	_ =	shalt  }
0x40: {  	_ =	shalt  }
0x41: {  	_ =	shalt  }
0x42: {  	_ =	shalt  }
0x43: {  	_ =	shalt  }
0x44: {  	_ =	shalt  }
0x45: {  	_ =	shalt  }
0x46: {  	_ =	shalt  }
0x47: {  	_ =	shalt  }
0x48: {  	_ =	shalt  }
0x49: {  	_ =	shalt  }
0x4a: {  	_ =	shalt  }
0x4b: {  	_ =	shalt  }
0x4c: {  	_ =	shalt  }
0x4d: {  	_ =	shalt  }
0x4e: {  	_ =	shalt  }
0x4f: {  	_ =	shalt  }
0x50: {  	_ =	shalt  }
0x51: {  	_ =	shalt  }
0x52: {  	_ =	shalt  }
0x53: {  	_ =	shalt  }
0x54: {  	_ =	shalt  }
0x55: {  	_ =	shalt  }
0x56: {  	_ =	shalt  }
0x57: {  	_ =	shalt  }
0x58: {  	_ =	shalt  }
0x59: {  	_ =	shalt  }
0x5a: {  	_ =	shalt  }
0x5b: {  	_ =	shalt  }
0x5c: {  	_ =	shalt  }
0x5d: {  	_ =	shalt  }
0x5e: {  	_ =	shalt  }
0x5f: {  	_ =	shalt  }
0x60: {  	_ =	shalt  }
0x61: {  	_ =	shalt  }
0x62: {  	_ =	shalt  }
0x63: {  	_ =	shalt  }
0x64: {  	_ =	shalt  }
0x65: {  	_ =	shalt  }
0x66: {  	_ =	shalt  }
0x67: {  	_ =	shalt  }
0x68: {  	_ =	shalt  }
0x69: {  	_ =	shalt  }
0x6a: {  	_ =	shalt  }
0x6b: {  	_ =	shalt  }
0x6c: {  	_ =	shalt  }
0x6d: {  	_ =	shalt  }
0x6e: {  	_ =	shalt  }
0x6f: {  	_ =	shalt  }
0x70: {  	_ =	shalt  }
0x71: {  	_ =	shalt  }
0x72: {  	_ =	shalt  }
0x73: {  	_ =	shalt  }
0x74: {  	_ =	shalt  }
0x75: {  	_ =	shalt  }
0x76: {  	_ =	shalt  }
0x77: {  	_ =	shalt  }
0x78: {  	_ =	shalt  }
0x79: {  	_ =	shalt  }
0x7a: {  	_ =	shalt  }
0x7b: {  	_ =	shalt  }
0x7c: {  	_ =	shalt  }
0x7d: {  	_ =	shalt  }
0x7e: {  	_ =	shalt  }
0x7f: {  	_ =	shalt  }
0x80: {  	_ =	shalt  }
0x81: {  	_ =	shalt  }
0x82: {  	_ =	shalt  }
0x83: {  	_ =	shalt  }
0x84: {  	_ =	shalt  }
0x85: {  	_ =	shalt  }
0x86: {  	_ =	shalt  }
0x87: {  	_ =	shalt  }
.Lfunc_end0:
.L_simem_size_0:
called_computation_lowered:
.L_overlay_start_0:
0x88: {  	s2 =	sld [smem:$0x3FD9]  }
0x89: {  	s3 =	sld [smem:$0x3FFE];
	_ =	sdelay $0x1  }
0x8a: {  	s1 =	srdreg.scid  }
0x8b: {  	s0 =	sand.u32 $0x1, s1  }
0x8c: {  	s16 =	sshll.u32 s0, $0xA;
	s2 =	sadd.s32 s3, s2  }
0x8d: {  	s2 =	sadd.s32 s2, s16  }
0x8e: {  	[smem:$0x3FC1] =	sst s2  }
0x8f: {  	_ = 	snop  }
0x90: {  	(tm) =	ssettm $0x1  }
0x91: {  	s17 =	sld [smem:$0x3FFB];
	_ =	sdelay $0x3  }
0x92: {  	_ =	strace s17  }
0x93: {  	s2 =	sld [smem:$0x3FFC];
	_ =	sdelay $0x3  }
0x94: {  	_ =	strace s2  }
0x95: {  	s2 =	sld [smem:$0x3FFD];
	_ =	sdelay $0x3  }
0x96: {  	_ =	strace s2  }
0x97: {  	_ =	strace $0x8FFFFFFF  }
0x98: {  	s18 =	sld [smem:$0x3FDB];
	_ =	sdelay $0x1  }
0x99: {  	s19 =	simm.s32 $_scs_section_size  }
0x9a: {  	s4 =	simm.s32 $_size__tile_overlayer_lowered;
	s5 =	simm.s32 $_tile_overlayer_lowered  }
0x9b: {  	s22 =	simm.s32 $0x1BFF;
	s21 =	sshll.u32 s5, $0x1;
	s2 =	sadd.s32 s19, s18  }
0x9c: {  	s6 =	simm.s32 $0x0;
	s20 =	sshll.u32 s4, $0x1;
	s4 =	sadd.s32 s21, s2  }
0x9d: {  	[timem:s6], [sflag:s22] =	dma.local [hbm:s4], s20  }
0x9e: {  	_ =	swait.ge [sflag:s22], s20  }
0x9f: {  	s3 =	ssub.s32 $0x0, s20;
	[sflag:s22] =	ssyncset.done $0x0  }
0xa0: {  	[sflag:s22] =	ssyncadd.s32 s3;
	_ =	sdelay $0x1  }
0xa1: {  	s23 =	simm.s32 $0x1B8B  }
0xa2: {  	_ =	swait.ge [sflag:s23], $0x1  }
0xa3: {  	[sflag:s23] =	ssyncset.done $0x0  }
0xa4: {  	s25 =	simm.s32 $0x1B8E;
	s24 =	sld [smem:$0x3FFE];
	[sflag:s23] =	ssyncadd.s32 $0xFFFFFFFF  }
0xa5: {  	s26 =	simm.s32 $execute0_lowered;
	[smem:$0x3FD2] =	sst s25  }
0xa6: {  	s4 =	sshll.u32 s26, $0x1;
	_ =	strace $0x80000046;
	[dreg:$0x1] =	wrdreg $0xFFFFFFFF  }
0xa7: {  	s28 =	simm.s32 $_size_execute0_lowered;
	s2 =	sadd.s32 s2, s4;
	[dreg:$0x0] =	wrdreg $0x0  }
0xa8: {  	s4 =	sshll.u32 s28, $0x1;
	[dreg:$0x2] =	wrdreg s2  }
0xa9: {  	[dreg:$0x3] =	wrdreg s4  }
0xaa: {  	[dreg:$0x4] =	wrdreg $0xC0  }
0xab: {  	_ =	task [dreg:s6], $0x5FFFF  }
0xac: {  	[dreg:$0x1] =	wrdreg $0xFFFFFFFF  }
0xad: {  	[dreg:$0x0] =	wrdreg $0x60  }
0xae: {  	[dreg:$0x2] =	wrdreg s24  }
0xaf: {  	[dreg:$0x3] =	wrdreg $0x58000  }
0xb0: {  	[dreg:$0x4] =	wrdreg $0x9  }
0xb1: {  	_ =	task.clear_ibuf [dreg:s6], $0x5FFFF;
	_ =	strace $0x90000046  }
0xb2: {  	s29 =	simm.s32 $0x9;
	_ =	strace $0x80000048  }
0xb3: {  	_ =	swait.ge [sflag:s29], $0x1  }
0xb4: {  	[sflag:s29] =	ssyncadd.s32 $0xFFFFFFFF  }
0xb5: {  	_ =	strace $0x90000048  }
0xb6: {  	_ =	sfence  }
0xb7: {  	s30 =	sld [smem:$0x0];
	_ =	sdelay $0x2  }
0xb8: {  	s31 =	sshll.u32 s1, $0xD;
	s1 =	sshrl.u32 s1, $0x2  }
0xb9: {  	s3 =	sand.u32 $0x4000, s31;
	s1 =	sadd.s32 s1, s30  }
0xba: {  	s0 =	sor.u32 s3, s0;
	s1 =	sshll.u32 s1, $0x11  }
0xbb: {  	s0 =	sor.u32 s1, s0  }
0xbc: {  	s0 =	sadd.s32 $0x8F2B, s0  }
0xbd: {  	[sflag:s0] =	ssyncadd.remote.s32 $0x1  }
0xbe: {  	_ =	sfence.sel $0xFFFF  }
0xbf: {  	[dreg:$0x0] =	wrdreg $0xFFFFFFFF;
	(pc) =	sbr.abs _section_cstart, $3  }
0xc0: {  	[dreg:$0x1] =	wrdreg $0xFFFFFFFF  }
0xc1: {  	_ =	task.clear_ibuf [dreg:s6], $0x2FFFF;
	_ =	strace $0x9FFFFFFF  }
0xc2: {  	(tm) =	ssettm $0x7FFFFFFF  }
0xc3: {  	_ =	shalt  }
tec
execute0_lowered:
.L_overlay_start_1:
0x0: {  	(tag) =	ssettag $0x1  }
0x1: {  	s5 =	rddreg [dreg:$0x0]  }
0x2: {  	s0 =	srdreg.scid;
	s2 =	rddreg [dreg:$0x1];
	s3 =	simm.s32 $0x0  }
0x3: {  	s10 =	simm.s32 $0x80;
	s11 =	simm.s32 $0x2800;
	s12 =	simm.s32 $0x100  }
0x4: {  	s13 =	simm.s32 $0x180;
	s14 =	simm.s32 $0x1;
	s15 =	simm.s32 $0x2  }
0x5: {  	s16 =	simm.s32 $0x3;
	s4 =	sand.u32 $0x1, s0;
	s0 =	stileid.u32  }
0x6: {  	s17 =	simm.s32 $0x4;
	s20 =	simm.s32 $0x0;
	s7 =	smul.u32 $0x500, s0  }
0x7: {  	[smem:$0x7FF] =	sst s3;
	s1 =	sshll.u32 s4, $0x4;
	s8 =	smul.u32 $0x5000, s4  }
0x8: {  	s4 =	ssub.s32 $0x2, s4;
	s9 =	smul.u32 $0xA000, s0;
	s18 =	sshll.u32 s0, $0x6  }
0x9: {  	s1 =	sor.u32 s0, s1;
	s30 =	sshrl.u32 s4, $0x1;
	s18 =	sor.u32 $0x1C05, s18  }
0xa: {  	s6 =	smul.u32 $0x500, s1;
	s1 =	rddreg [dreg:$0x2];
	_ =	strace $0x80000047  }
0xb: {  	s7 =	sadd.s32 s7, s8;
	s8 =	ssub.s32 s4, s30;
	s31 =	sshrl.u32 s9, $0x2  }
0xc: {  	s9 =	simm.s32 $0x5;
	s4 =	sadd.s32 s31, s2;
	s6 =	sadd.s32 s6, s5  }
0xd: {  	s7 =	sadd.s32 s7, s5;
	s19 =	sshrl.u32 s4, $0x3;
	s5 =	sadd.s32 $0x2E00, s6  }
0xe: {  	v0 =	vimm.f32 $1.000000000e+00;
	v1 =	vimm.f32 $0.0e+00;
	s6 =	sadd.s32 $0xCE00, s7;
	s7 =	smax.u32 s8, $0x1;
	s8 =	simm.s32 $0x3000  }
.LBB2_1:
0xf: {  	s21 =	simm.s32 $0x0  }
.LBB2_2:
0x10: {  	p0 =	sne.s32 s21, $0x1FC0  }
.Ltmp0:
0x11: {  	_ = 	snop;
	(pc) =	sbr.rel @p0 .LBB2_2-.Ltmp0, $3  }
0x12: {  	_ =	sdelay $0x1  }
0x13: {  	s22 =	sshra.s32 s21, $0x2  }
0x14: {  	s21 =	sadd.s32 $0x40, s21;
	[tilespmem:s22+$0x2800] =	vst v0  }
0x15: {  	s21 =	simm.s32 $0x40;
	s22 =	simm.s32 $0x0  }
.LBB2_4:
0x16: {  	p0 =	sne.s32 s21, $0x9FC0;
	[tilespmem:s22+$0x3000] =	vst v1;
	s22 =	smov.u32 s21;
	s21 =	sadd.s32 $0x40, s21  }
.Ltmp1:
0x17: {  	(pc) =	sbr.rel @p0 .LBB2_4-.Ltmp1, $2  }
0x18: {  	_ =	sdelay $0x2  }
0x19: {  	s22 =	sshra.s32 s22, $0x2  }
0x1a: {  	[tilespmem:s22+$0x3000] =	vst v1  }
0x1b: {  	[spmem:s4] =	stream.linear.scatter [tilespmem:s8], [sflag:$0x5], $0x2800, $0x38;
	[tilespmem:$0x8000] =	vst v63  }
0x1c: {  	_ =	swait.ge [sflag:s9], $0x2800  }
0x1d: {  	[sflag:s9] =	ssyncset.done $0x0  }
0x1e: {  	[sflag:s9] =	ssyncadd.s32 $0xFFFFD800  }
0x1f: {  	[tilespmem:s3], [sflag:$0x5] =	stream.linear.gather [hbm4b:s5+s3], $0x2800, $0x38;
	[tilespmem:$0x8000] =	vst v63  }
0x20: {  	_ =	swait.ge [sflag:s9], $0x2800  }
0x21: {  	[sflag:s9] =	ssyncset.done $0x0  }
0x22: {  	[sflag:s9] =	ssyncadd.s32 $0xFFFFD800  }
0x23: {  	[bflag:$0x0] =	sbarrier.arrive $0xFFFF  }
0x24: {  	[spmem:s2] =	stream.indirect.scatter.add.f32 [tilespmem:s11], [sflag:$0x1], $0x10, s3, s10, $0xb8;
	[tilespmem:$0x8000] =	vst v63  }
0x25: {  	_ = 	snop  }
0x26: {  	[spmem:s2] =	stream.indirect.scatter.add.f32 [tilespmem:s11], [sflag:$0x2], $0x10, s10, s10, $0xb8;
	[tilespmem:$0x8000] =	vst v63  }
0x27: {  	_ = 	snop  }
0x28: {  	[spmem:s2] =	stream.indirect.scatter.add.f32 [tilespmem:s11], [sflag:$0x3], $0x10, s12, s10, $0xb8;
	[tilespmem:$0x8000] =	vst v63  }
0x29: {  	_ = 	snop  }
0x2a: {  	[spmem:s2] =	stream.indirect.scatter.add.f32 [tilespmem:s11], [sflag:$0x4], $0x10, s13, s10, $0xb8;
	[tilespmem:$0x8000] =	vst v63  }
0x2b: {  	_ =	swait.ge [sflag:s14], $0x800  }
0x2c: {  	[sflag:s14] =	ssyncset.done $0x0  }
0x2d: {  	s21 =	simm.s32 $0x200;
	[sflag:s14] =	ssyncadd.s32 $0xFFFFF800  }
0x2e: {  	[spmem:s2] =	stream.indirect.scatter.add.f32 [tilespmem:s11], [sflag:$0x1], $0x10, s21, s10, $0xb8;
	[tilespmem:$0x8000] =	vst v63  }
0x2f: {  	_ =	swait.ge [sflag:s15], $0x800  }
0x30: {  	[sflag:s15] =	ssyncset.done $0x0  }
0x31: {  	s30 =	simm.s32 $0x280;
	[sflag:s15] =	ssyncadd.s32 $0xFFFFF800  }
0x32: {  	[spmem:s2] =	stream.indirect.scatter.add.f32 [tilespmem:s11], [sflag:$0x2], $0x10, s30, s10, $0xb8;
	[tilespmem:$0x8000] =	vst v63  }
0x33: {  	_ =	swait.ge [sflag:s16], $0x800  }
0x34: {  	[sflag:s16] =	ssyncset.done $0x0  }
0x35: {  	s31 =	simm.s32 $0x300;
	[sflag:s16] =	ssyncadd.s32 $0xFFFFF800  }
0x36: {  	[spmem:s2] =	stream.indirect.scatter.add.f32 [tilespmem:s11], [sflag:$0x3], $0x10, s31, s10, $0xb8;
	[tilespmem:$0x8000] =	vst v63  }
0x37: {  	_ =	swait.ge [sflag:s17], $0x800  }
0x38: {  	[sflag:s17] =	ssyncset.done $0x0  }
0x39: {  	s22 =	simm.s32 $0x380;
	s21 =	simm.s32 $0xFFFF7000;
	[sflag:s17] =	ssyncadd.s32 $0xFFFFF800  }
.LBB2_6:
0x3a: {  	[spmem:s2] =	stream.indirect.scatter.add.f32 [tilespmem:s11], [sflag:$0x4], $0x10, s22, s10, $0xb8;
	[tilespmem:$0x8000] =	vst v63  }
0x3b: {  	s22 =	smov.u32 s21  }
0x3c: {  	p0 =	sne.s32 s21, $0xFFFFF800;
	s21 =	sadd.s32 $0x800, s21;
	_ =	swait.ge [sflag:s14], $0x800  }
0x3d: {  	s22 =	sshra.s32 s22, $0x2;
	[sflag:s14] =	ssyncset.done $0x0  }
0x3e: {  	s23 =	sadd.s32 $0x2800, s22;
	[sflag:s14] =	ssyncadd.s32 $0xFFFFF800  }
0x3f: {  	[spmem:s2] =	stream.indirect.scatter.add.f32 [tilespmem:s11], [sflag:$0x1], $0x10, s23, s10, $0xb8;
	[tilespmem:$0x8000] =	vst v63  }
0x40: {  	_ =	swait.ge [sflag:s15], $0x800  }
0x41: {  	[sflag:s15] =	ssyncset.done $0x0  }
0x42: {  	s23 =	sadd.s32 $0x2880, s22;
	[sflag:s15] =	ssyncadd.s32 $0xFFFFF800  }
0x43: {  	[spmem:s2] =	stream.indirect.scatter.add.f32 [tilespmem:s11], [sflag:$0x2], $0x10, s23, s10, $0xb8;
	[tilespmem:$0x8000] =	vst v63  }
0x44: {  	_ =	swait.ge [sflag:s16], $0x800  }
0x45: {  	[sflag:s16] =	ssyncset.done $0x0  }
.Ltmp2:
0x46: {  	s23 =	sadd.s32 $0x2900, s22;
	[sflag:s16] =	ssyncadd.s32 $0xFFFFF800;
	(pc) =	sbr.rel @p0 .LBB2_6-.Ltmp2, $4  }
0x47: {  	[spmem:s2] =	stream.indirect.scatter.add.f32 [tilespmem:s11], [sflag:$0x3], $0x10, s23, s10, $0xb8;
	[tilespmem:$0x8000] =	vst v63  }
0x48: {  	_ =	swait.ge [sflag:s17], $0x800  }
0x49: {  	[sflag:s17] =	ssyncset.done $0x0  }
0x4a: {  	s22 =	sadd.s32 $0x2980, s22;
	[sflag:s17] =	ssyncadd.s32 $0xFFFFF800  }
0x4b: {  	[spmem:s2] =	stream.indirect.scatter.add.f32 [tilespmem:s11], [sflag:$0x4], $0x10, s22, s10, $0xb8;
	[tilespmem:$0x8000] =	vst v63  }
0x4c: {  	_ =	swait.ge [sflag:s14], $0x800  }
0x4d: {  	[sflag:s14] =	ssyncset.done $0x0  }
0x4e: {  	[sflag:s14] =	ssyncadd.s32 $0xFFFFF800  }
0x4f: {  	_ =	swait.ge [sflag:s15], $0x800  }
0x50: {  	[sflag:s15] =	ssyncset.done $0x0  }
0x51: {  	[sflag:s15] =	ssyncadd.s32 $0xFFFFF800  }
0x52: {  	_ =	swait.ge [sflag:s16], $0x800  }
0x53: {  	[sflag:s16] =	ssyncset.done $0x0  }
0x54: {  	[sflag:s16] =	ssyncadd.s32 $0xFFFFF800  }
0x55: {  	_ =	swait.ge [sflag:s17], $0x800  }
0x56: {  	s20 =	sadd.s32 $0x1, s20;
	[sflag:s17] =	ssyncset.done $0x0  }
0x57: {  	p0 =	sne.s32 s20, s7;
	[sflag:s17] =	ssyncadd.s32 $0xFFFFF800  }
.Ltmp3:
0x58: {  	[bflag:$0x0] =	sbarrier.arrive $0xFFFF;
	(pc) =	sbr.rel @p0 .LBB2_1-.Ltmp3, $4  }
0x59: {  	[hbm:s6], [sflag:s18] =	dma.local [spmem:s19], $0x500  }
0x5a: {  	_ =	swait.ge [sflag:s9], $0x500  }
0x5b: {  	[sflag:s9] =	ssyncset.done $0x0  }
0x5c: {  	[sflag:s9] =	ssyncadd.s32 $0xFFFFFB00  }
0x5d: {  	_ =	sfence.sel $0x180000  }
0x5e: {  	[bflag:$0x0] =	sbarrier.arrive $0xFFFF  }
0x5f: {  	p0 =	sne.s32 s0, $0x0;
	_ =	strace $0x90000047  }
0x60: {  	s0 =	sadd.s32 @!p0 $0x100000, s1;
	[bflag:$0x2] =	sbarrier.arrive $0xFFFF  }
0x61: {  	[sflag:s0] =	ssyncadd.tile.s32 @!p0 $0x1;
	_ =	shalt  }
.Lfunc_end2:
_tile_overlayer_lowered:
.L_overlay_start_2:
0x62: {  	(tag) =	ssettag $0x2  }
0x63: {  	s0 =	rddreg [dreg:$0x0];
	s2 =	stileid.u32  }
0x64: {  	s1 =	rddreg [dreg:$0x1];
	p0 =	sne.s32 s2, $0x0  }
0x65: {  	s3 =	rddreg [dreg:$0x2];
	[bflag:$0x3] =	sbarrier.arrive $0xFFFF;
	s2 =	simm.s32 @!p0 $0x1C05  }
0x66: {  	[timem:s3], [sflag:s2] =	dma.local @!p0 [hbm:s0], s1  }
0x67: {  	s0 =	simm.s32 @!p0 $0x5  }
0x68: {  	_ =	swait.ge @!p0 [sflag:s0], s1  }
0x69: {  	s1 =	ssub.s32 @!p0 $0x0, s1;
	[sflag:s0] =	ssyncset.done @!p0 $0x0  }
0x6a: {  	[sflag:s0] =	ssyncadd.s32 @!p0 s1  }
0x6b: {  	[bflag:$0x3] =	sbarrier.arrive $0xFFFF  }
0x6c: {  	_ =	shalt  }

</sc_bundles>
